<compile_context>
chip_gen: v7x
topology: tpu7x:2x2x1
jax: 0.10.2.dev20260603
libtpu: 0.0.44.dev20260713+nightly
codegen_flags: <defaults>
</compile_context>

<pallas_src>
import functools

import jax
import jax.numpy as jnp
from jax import lax
from jax.experimental import pallas as pl
from jax.experimental.pallas import tpu as pltpu
from jax.experimental.pallas import tpu_sc as plsc

NC = 2
NS = 16
NW = NC * NS
DP = 128
CHUNK = 128
GROUP = 2


@functools.partial(jax.jit, static_argnames=("total",))
def _sc_gather(idx_e, idx_o, table, total):
    d = table.shape[1]
    half = total // 2
    bpw = half // NW
    nchunk = bpw // CHUNK
    ngroup = nchunk // GROUP
    gr = GROUP * CHUNK

    mesh = plsc.VectorSubcoreMesh(core_axis_name="c", subcore_axis_name="s")

    @functools.partial(
        pl.kernel,
        out_type=jax.ShapeDtypeStruct((half, DP), jnp.float32),
        mesh=mesh,
        scratch_types=[
            pltpu.VMEM((nchunk, CHUNK), jnp.int32),
            pltpu.VMEM((nchunk, CHUNK), jnp.int32),
            pltpu.VMEM((2, 2, gr, d), jnp.float32),
            pltpu.SemaphoreType.DMA,
            pltpu.SemaphoreType.DMA,
            pltpu.SemaphoreType.DMA,
            pltpu.SemaphoreType.DMA,
        ],
        compiler_params=pltpu.CompilerParams(
            use_tc_tiling_on_sc=False,
            skip_device_barrier=True,
            disable_bounds_checks=True,
            disable_semaphore_checks=True,
        ),
    )
    def gather_kernel(idx_e_hbm, idx_o_hbm, table_hbm, out_hbm,
                      idx_ev, idx_ov, rows_v,
                      gsem0, gsem1, osem0, osem1):
        wid = lax.axis_index("s") * NC + lax.axis_index("c")
        base = wid * bpw
        gsem = (gsem0, gsem1)
        osem = (osem0, osem1)
        pltpu.sync_copy(idx_e_hbm.at[pl.ds(wid * nchunk, nchunk)], idx_ev)
        pltpu.sync_copy(idx_o_hbm.at[pl.ds(wid * nchunk, nchunk)], idx_ov)

        def issue_gathers(g, s):
            for u in range(GROUP):
                c = g * GROUP + u
                r0 = u * CHUNK
                for p, iv in ((0, idx_ev), (1, idx_ov)):
                    pltpu.async_copy(
                        table_hbm.at[iv.at[c]],
                        rows_v.at[s, p, pl.ds(r0, CHUNK)],
                        gsem[s],
                    )

        def drain_gathers(s):
            for u in range(2 * GROUP):
                pltpu.make_async_copy(
                    table_hbm.at[idx_ev.at[0]],
                    rows_v.at[s, 0, pl.ds(0, CHUNK)],
                    gsem[s],
                ).wait()

        def out_copy(g, s, issue):
            for p in range(2):
                src = rows_v.at[s, p]
                dst = out_hbm.at[pl.ds(base + g * gr, gr), pl.ds(p * d, d)]
                if issue:
                    pltpu.async_copy(src, dst, osem[s])
                else:
                    pltpu.make_async_copy(src, dst, osem[s]).wait()

        issue_gathers(0, 0)

        @pl.loop(0, ngroup, step=2)
        def _(go):
            for s in range(2):
                g = go + s
                s2 = 1 - s
                drain_gathers(s)
                out_copy(g, s, issue=True)
                if s == 0:
                    @pl.when(go > 0)
                    def _():
                        out_copy(0, s2, issue=False)
                    issue_gathers(g + 1, s2)
                else:
                    out_copy(0, s2, issue=False)

                    @pl.when(go + 2 < ngroup)
                    def _():
                        issue_gathers(g + 1, s2)

        out_copy(0, 1, issue=False)

    return gather_kernel(idx_e, idx_o, table)


def _to_native_kernel(h, d, x_ref, o_ref):
    x = x_ref[...]
    bc = 2 * x.shape[0] // h
    x3 = x.reshape(bc, h // 2, DP)
    for t in range(h):
        o_ref[t] = x3[:, t // 2, (t % 2) * d:(t % 2) * d + d].T


@functools.partial(jax.jit, static_argnames=("b", "h", "d"))
def _to_native(rows, b, h, d):
    bc = 128
    return pl.pallas_call(
        functools.partial(_to_native_kernel, h, d),
        grid=(b // bc,),
        in_specs=[pl.BlockSpec((bc * h // 2, DP), lambda i: (i, 0))],
        out_specs=pl.BlockSpec((h, d, bc), lambda i: (0, 0, i)),
        out_shape=jax.ShapeDtypeStruct((h, d, b), jnp.float32),
    )(rows)


def kernel(category_ids, embedding_weight):
    b, h = category_ids.shape
    total = b * h
    d = embedding_weight.shape[1]
    idx_e = category_ids[:, 0::2].reshape(total // 2 // CHUNK, CHUNK)
    idx_o = category_ids[:, 1::2].reshape(total // 2 // CHUNK, CHUNK)
    idx_e = idx_e.astype(jnp.int32)
    idx_o = idx_o.astype(jnp.int32)
    rows = _sc_gather(idx_e, idx_o, embedding_weight, total)
    out_native = _to_native(rows, b, h, d)
    return out_native.transpose(2, 0, 1)

# --- scband reference (transcript-rebuilt; emitter-appended) ---
"""Pipeline reference for scband-graph-aware-categorical-embedding-57140244906299 (READ-ONLY COPY).

The authoritative reference and input builder live on the scoring server;
editing this copy changes nothing except your own understanding.
"""

import jax, jax.numpy as jnp
import numpy as np

NUM_CATEGORIES = 1000000
EMBEDDING_DIM = 64
BATCH = 16384
HIST_LEN = 50


def setup_inputs(seed: int = 0) -> dict:
    key = jax.random.key(seed)
    k_idx, k_emb = jax.random.split(key)
    category_ids = jax.random.randint(k_idx, (BATCH, HIST_LEN), 0, NUM_CATEGORIES, dtype=jnp.int64 if jax.config.jax_enable_x64 else jnp.int32)
    # Xavier uniform init for embedding table (matches nn.init.xavier_uniform_)
    bound = float(np.sqrt(6.0 / (NUM_CATEGORIES + EMBEDDING_DIM)))
    embedding_weight = jax.random.uniform(k_emb, (NUM_CATEGORIES, EMBEDDING_DIM), dtype=jnp.float32, minval=-bound, maxval=bound)
    return {"category_ids": category_ids, "embedding_weight": embedding_weight}


def reference(category_ids, embedding_weight):
    # GraphAwareCategoricalEmbedding with use_graph_conv=False and no hashing
    # reduces to a plain embedding lookup: table[idx]
    embedded = jnp.take(embedding_weight, category_ids, axis=0)
    return embedded

if __name__ == "__main__":
    import jax
    _d = setup_inputs()
    print(jax.jit(kernel)(*tuple(_d.values())))

</pallas_src>

<mosaic_0001>
#map = affine_map<(d0, d1) -> (0, 0)>
module attributes {stable_mosaic.version = 14 : i64} {
  func.func @gather_kernel(%arg0: i32, %arg1: i32, %arg2: memref<3200x128xi32, #tpu.memory_space<hbm>>, %arg3: memref<3200x128xi32, #tpu.memory_space<hbm>>, %arg4: memref<1000000x64xf32, #tpu.memory_space<hbm>>, %arg5: memref<409600x128xf32, #tpu.memory_space<hbm>>, %arg6: memref<100x128xi32, #tpu.memory_space<vmem>>, %arg7: memref<100x128xi32, #tpu.memory_space<vmem>>, %arg8: memref<2x2x256x64xf32, #tpu.memory_space<vmem>>, %arg9: memref<!tpu.dma_semaphore, #tpu.memory_space<semaphore_mem>>, %arg10: memref<!tpu.dma_semaphore, #tpu.memory_space<semaphore_mem>>, %arg11: memref<!tpu.dma_semaphore, #tpu.memory_space<semaphore_mem>>, %arg12: memref<!tpu.dma_semaphore, #tpu.memory_space<semaphore_mem>>) attributes {dimension_semantics = [#tpu.dimension_semantics<core_parallel>, #tpu.dimension_semantics<subcore_parallel>], iteration_bounds = array<i64: 2, 16>, scalar_prefetch = 0 : i64, scratch_operands = 7 : i64, tpu.core_type = #tpu.core_type<sc_vector_subcore>, window_params = [{transform_indices = #map}, {transform_indices = #map}, {transform_indices = #map}, {transform_indices = #map}]} {
    %mul3A = arith.constant 2 : i32
    %mul3A_0 = arith.muli %arg1, %mul3A : i32
    %add3A = arith.addi %mul3A_0, %arg0 : i32
    %mul3A_1 = arith.constant 12800 : i32
    %mul3A_2 = arith.muli %add3A, %mul3A_1 : i32
    %mul3A_3 = arith.constant 100 : i32
    %mul3A_4 = arith.muli %add3A, %mul3A_3 : i32
    "tpu.region"() ({
      %run_scoped3A = tpu.sem_alloc : memref<!tpu.dma_semaphore, #tpu.memory_space<semaphore_mem>>
      %dma_start3A_93 = arith.constant 0 : i32
      %dma_start3A_94 = tpu.memref_slice %arg2[%mul3A_4, %dma_start3A_93] : memref<3200x128xi32, #tpu.memory_space<hbm>> -> memref<100x128xi32, #tpu.memory_space<hbm>>
      %dma_start3A_95 = arith.constant 0 : i32
      %dma_start3A_96 = tpu.memref_slice %arg2[%mul3A_4, %dma_start3A_95] : memref<3200x128xi32, #tpu.memory_space<hbm>> -> memref<100x128xi32, #tpu.memory_space<hbm>>
      tpu.enqueue_dma source(%dma_start3A_96 : memref<100x128xi32, #tpu.memory_space<hbm>>) target(%arg6 : memref<100x128xi32, #tpu.memory_space<vmem>>) target_semaphore(%run_scoped3A : memref<!tpu.dma_semaphore, #tpu.memory_space<semaphore_mem>>)
      %dma_wait3A_97 = arith.constant 0 : i32
      %dma_wait3A_98 = tpu.memref_slice %arg2[%mul3A_4, %dma_wait3A_97] : memref<3200x128xi32, #tpu.memory_space<hbm>> -> memref<100x128xi32, #tpu.memory_space<hbm>>
      %dma_wait3A_99 = arith.constant 0 : i32
      %dma_wait3A_100 = tpu.memref_slice %arg2[%mul3A_4, %dma_wait3A_99] : memref<3200x128xi32, #tpu.memory_space<hbm>> -> memref<100x128xi32, #tpu.memory_space<hbm>>
      tpu.wait_dma2 semaphore(%run_scoped3A : memref<!tpu.dma_semaphore, #tpu.memory_space<semaphore_mem>>) src(%dma_wait3A_100 : memref<100x128xi32, #tpu.memory_space<hbm>>) dst(%arg6 : memref<100x128xi32, #tpu.memory_space<vmem>>)
      tpu.yield
    }) : () -> ()
    %mul3A_5 = arith.constant 100 : i32
    %mul3A_6 = arith.muli %add3A, %mul3A_5 : i32
    "tpu.region"() ({
      %run_scoped3A = tpu.sem_alloc : memref<!tpu.dma_semaphore, #tpu.memory_space<semaphore_mem>>
      %dma_start3A_93 = arith.constant 0 : i32
      %dma_start3A_94 = tpu.memref_slice %arg3[%mul3A_6, %dma_start3A_93] : memref<3200x128xi32, #tpu.memory_space<hbm>> -> memref<100x128xi32, #tpu.memory_space<hbm>>
      %dma_start3A_95 = arith.constant 0 : i32
      %dma_start3A_96 = tpu.memref_slice %arg3[%mul3A_6, %dma_start3A_95] : memref<3200x128xi32, #tpu.memory_space<hbm>> -> memref<100x128xi32, #tpu.memory_space<hbm>>
      tpu.enqueue_dma source(%dma_start3A_96 : memref<100x128xi32, #tpu.memory_space<hbm>>) target(%arg7 : memref<100x128xi32, #tpu.memory_space<vmem>>) target_semaphore(%run_scoped3A : memref<!tpu.dma_semaphore, #tpu.memory_space<semaphore_mem>>)
      %dma_wait3A_97 = arith.constant 0 : i32
      %dma_wait3A_98 = tpu.memref_slice %arg3[%mul3A_6, %dma_wait3A_97] : memref<3200x128xi32, #tpu.memory_space<hbm>> -> memref<100x128xi32, #tpu.memory_space<hbm>>
      %dma_wait3A_99 = arith.constant 0 : i32
      %dma_wait3A_100 = tpu.memref_slice %arg3[%mul3A_6, %dma_wait3A_99] : memref<3200x128xi32, #tpu.memory_space<hbm>> -> memref<100x128xi32, #tpu.memory_space<hbm>>
      tpu.wait_dma2 semaphore(%run_scoped3A : memref<!tpu.dma_semaphore, #tpu.memory_space<semaphore_mem>>) src(%dma_wait3A_100 : memref<100x128xi32, #tpu.memory_space<hbm>>) dst(%arg7 : memref<100x128xi32, #tpu.memory_space<vmem>>)
      tpu.yield
    }) : () -> ()
    %dma_start3A = arith.constant 0 : i32
    %dma_start3A_7 = arith.constant 0 : i32
    %dma_start3A_8 = arith.constant 0 : i32
    %dma_start3A_9 = arith.constant 0 : i32
    %dma_start3A_10 = arith.constant 0 : i32
    %dma_start3A_11 = tpu.memref_slice %arg8[%dma_start3A_7, %dma_start3A_8, %dma_start3A_9, %dma_start3A_10] : memref<2x2x256x64xf32, #tpu.memory_space<vmem>> -> memref<1x1x128x64xf32, #tpu.memory_space<vmem>>
    %dma_start3A_12 = tpu.memref_squeeze %dma_start3A_11 : memref<1x1x128x64xf32, #tpu.memory_space<vmem>> -> memref<128x64xf32, #tpu.memory_space<vmem>>
    %dma_start3A_13 = arith.constant 0 : i32
    %dma_start3A_14 = tpu.memref_slice %arg6[%dma_start3A, %dma_start3A_13] : memref<100x128xi32, #tpu.memory_space<vmem>> -> memref<1x128xi32, #tpu.memory_space<vmem>>
    %dma_start3A_15 = tpu.memref_squeeze %dma_start3A_14 : memref<1x128xi32, #tpu.memory_space<vmem>> -> memref<128xi32, #tpu.memory_space<vmem>>
    %dma_start3A_16 = arith.constant 0 : i32
    %dma_start3A_17 = arith.constant 0 : i32
    %dma_start3A_18 = tpu.memref_slice %arg4[%dma_start3A_16, %dma_start3A_17] : memref<1000000x64xf32, #tpu.memory_space<hbm>> -> memref<1000000x64xf32, #tpu.memory_space<hbm>>
    tpu.enqueue_indirect_dma source(%dma_start3A_18 : memref<1000000x64xf32, #tpu.memory_space<hbm>>) target(%dma_start3A_12 : memref<128x64xf32, #tpu.memory_space<vmem>>) offsets(%dma_start3A_15 : memref<128xi32, #tpu.memory_space<vmem>>) semaphore(%arg9 : memref<!tpu.dma_semaphore, #tpu.memory_space<semaphore_mem>>)
    %dma_start3A_19 = arith.constant 0 : i32
    %dma_start3A_20 = arith.constant 0 : i32
    %dma_start3A_21 = arith.constant 1 : i32
    %dma_start3A_22 = arith.constant 0 : i32
    %dma_start3A_23 = arith.constant 0 : i32
    %dma_start3A_24 = tpu.memref_slice %arg8[%dma_start3A_20, %dma_start3A_21, %dma_start3A_22, %dma_start3A_23] : memref<2x2x256x64xf32, #tpu.memory_space<vmem>> -> memref<1x1x128x64xf32, #tpu.memory_space<vmem>>
    %dma_start3A_25 = tpu.memref_squeeze %dma_start3A_24 : memref<1x1x128x64xf32, #tpu.memory_space<vmem>> -> memref<128x64xf32, #tpu.memory_space<vmem>>
    %dma_start3A_26 = arith.constant 0 : i32
    %dma_start3A_27 = tpu.memref_slice %arg7[%dma_start3A_19, %dma_start3A_26] : memref<100x128xi32, #tpu.memory_space<vmem>> -> memref<1x128xi32, #tpu.memory_space<vmem>>
    %dma_start3A_28 = tpu.memref_squeeze %dma_start3A_27 : memref<1x128xi32, #tpu.memory_space<vmem>> -> memref<128xi32, #tpu.memory_space<vmem>>
    %dma_start3A_29 = arith.constant 0 : i32
    %dma_start3A_30 = arith.constant 0 : i32
    %dma_start3A_31 = tpu.memref_slice %arg4[%dma_start3A_29, %dma_start3A_30] : memref<1000000x64xf32, #tpu.memory_space<hbm>> -> memref<1000000x64xf32, #tpu.memory_space<hbm>>
    tpu.enqueue_indirect_dma source(%dma_start3A_31 : memref<1000000x64xf32, #tpu.memory_space<hbm>>) target(%dma_start3A_25 : memref<128x64xf32, #tpu.memory_space<vmem>>) offsets(%dma_start3A_28 : memref<128xi32, #tpu.memory_space<vmem>>) semaphore(%arg9 : memref<!tpu.dma_semaphore, #tpu.memory_space<semaphore_mem>>)
    %dma_start3A_32 = arith.constant 1 : i32
    %dma_start3A_33 = arith.constant 0 : i32
    %dma_start3A_34 = arith.constant 0 : i32
    %dma_start3A_35 = arith.constant 128 : i32
    %dma_start3A_36 = arith.constant 0 : i32
    %dma_start3A_37 = tpu.memref_slice %arg8[%dma_start3A_33, %dma_start3A_34, %dma_start3A_35, %dma_start3A_36] : memref<2x2x256x64xf32, #tpu.memory_space<vmem>> -> memref<1x1x128x64xf32, #tpu.memory_space<vmem>>
    %dma_start3A_38 = tpu.memref_squeeze %dma_start3A_37 : memref<1x1x128x64xf32, #tpu.memory_space<vmem>> -> memref<128x64xf32, #tpu.memory_space<vmem>>
    %dma_start3A_39 = arith.constant 0 : i32
    %dma_start3A_40 = tpu.memref_slice %arg6[%dma_start3A_32, %dma_start3A_39] : memref<100x128xi32, #tpu.memory_space<vmem>> -> memref<1x128xi32, #tpu.memory_space<vmem>>
    %dma_start3A_41 = tpu.memref_squeeze %dma_start3A_40 : memref<1x128xi32, #tpu.memory_space<vmem>> -> memref<128xi32, #tpu.memory_space<vmem>>
    %dma_start3A_42 = arith.constant 0 : i32
    %dma_start3A_43 = arith.constant 0 : i32
    %dma_start3A_44 = tpu.memref_slice %arg4[%dma_start3A_42, %dma_start3A_43] : memref<1000000x64xf32, #tpu.memory_space<hbm>> -> memref<1000000x64xf32, #tpu.memory_space<hbm>>
    tpu.enqueue_indirect_dma source(%dma_start3A_44 : memref<1000000x64xf32, #tpu.memory_space<hbm>>) target(%dma_start3A_38 : memref<128x64xf32, #tpu.memory_space<vmem>>) offsets(%dma_start3A_41 : memref<128xi32, #tpu.memory_space<vmem>>) semaphore(%arg9 : memref<!tpu.dma_semaphore, #tpu.memory_space<semaphore_mem>>)
    %dma_start3A_45 = arith.constant 1 : i32
    %dma_start3A_46 = arith.constant 0 : i32
    %dma_start3A_47 = arith.constant 1 : i32
    %dma_start3A_48 = arith.constant 128 : i32
    %dma_start3A_49 = arith.constant 0 : i32
    %dma_start3A_50 = tpu.memref_slice %arg8[%dma_start3A_46, %dma_start3A_47, %dma_start3A_48, %dma_start3A_49] : memref<2x2x256x64xf32, #tpu.memory_space<vmem>> -> memref<1x1x128x64xf32, #tpu.memory_space<vmem>>
    %dma_start3A_51 = tpu.memref_squeeze %dma_start3A_50 : memref<1x1x128x64xf32, #tpu.memory_space<vmem>> -> memref<128x64xf32, #tpu.memory_space<vmem>>
    %dma_start3A_52 = arith.constant 0 : i32
    %dma_start3A_53 = tpu.memref_slice %arg7[%dma_start3A_45, %dma_start3A_52] : memref<100x128xi32, #tpu.memory_space<vmem>> -> memref<1x128xi32, #tpu.memory_space<vmem>>
    %dma_start3A_54 = tpu.memref_squeeze %dma_start3A_53 : memref<1x128xi32, #tpu.memory_space<vmem>> -> memref<128xi32, #tpu.memory_space<vmem>>
    %dma_start3A_55 = arith.constant 0 : i32
    %dma_start3A_56 = arith.constant 0 : i32
    %dma_start3A_57 = tpu.memref_slice %arg4[%dma_start3A_55, %dma_start3A_56] : memref<1000000x64xf32, #tpu.memory_space<hbm>> -> memref<1000000x64xf32, #tpu.memory_space<hbm>>
    tpu.enqueue_indirect_dma source(%dma_start3A_57 : memref<1000000x64xf32, #tpu.memory_space<hbm>>) target(%dma_start3A_51 : memref<128x64xf32, #tpu.memory_space<vmem>>) offsets(%dma_start3A_54 : memref<128xi32, #tpu.memory_space<vmem>>) semaphore(%arg9 : memref<!tpu.dma_semaphore, #tpu.memory_space<semaphore_mem>>)
    %scan3A = arith.constant 0 : i32
    %scan3A_58 = arith.constant 25 : i32
    %scan3A_59 = arith.addi %scan3A, %scan3A_58 : i32
    %scan3A_60 = arith.constant 1 : i32
    scf.for %scan3A_93 = %scan3A to %scan3A_59 step %scan3A_60  : i32 {
      %mul3A_94 = arith.constant 2 : i32
      %mul3A_95 = arith.muli %scan3A_93, %mul3A_94 : i32
      %add3A_96 = arith.constant 0 : i32
      %add3A_97 = arith.addi %add3A_96, %mul3A_95 : i32
      %add3A_98 = arith.constant 0 : i32
      %add3A_99 = arith.addi %add3A_97, %add3A_98 : i32
      %dma_wait3A_100 = arith.constant 0 : i32
      %dma_wait3A_101 = arith.constant 0 : i32
      %dma_wait3A_102 = arith.constant 0 : i32
      %dma_wait3A_103 = arith.constant 0 : i32
      %dma_wait3A_104 = arith.constant 0 : i32
      %dma_wait3A_105 = tpu.memref_slice %arg8[%dma_wait3A_101, %dma_wait3A_102, %dma_wait3A_103, %dma_wait3A_104] : memref<2x2x256x64xf32, #tpu.memory_space<vmem>> -> memref<1x1x128x64xf32, #tpu.memory_space<vmem>>
      %dma_wait3A_106 = tpu.memref_squeeze %dma_wait3A_105 : memref<1x1x128x64xf32, #tpu.memory_space<vmem>> -> memref<128x64xf32, #tpu.memory_space<vmem>>
      %dma_wait3A_107 = arith.constant 0 : i32
      %dma_wait3A_108 = tpu.memref_slice %arg6[%dma_wait3A_100, %dma_wait3A_107] : memref<100x128xi32, #tpu.memory_space<vmem>> -> memref<1x128xi32, #tpu.memory_space<vmem>>
      %dma_wait3A_109 = tpu.memref_squeeze %dma_wait3A_108 : memref<1x128xi32, #tpu.memory_space<vmem>> -> memref<128xi32, #tpu.memory_space<vmem>>
      %dma_wait3A_110 = arith.constant 0 : i32
      %dma_wait3A_111 = arith.constant 0 : i32
      %dma_wait3A_112 = tpu.memref_slice %arg4[%dma_wait3A_110, %dma_wait3A_111] : memref<1000000x64xf32, #tpu.memory_space<hbm>> -> memref<1000000x64xf32, #tpu.memory_space<hbm>>
      tpu.wait_indirect_dma semaphore(%arg9 : memref<!tpu.dma_semaphore, #tpu.memory_space<semaphore_mem>>) src(%dma_wait3A_112 : memref<1000000x64xf32, #tpu.memory_space<hbm>>) dst(%dma_wait3A_106 : memref<128x64xf32, #tpu.memory_space<vmem>>)
      %dma_wait3A_113 = arith.constant 0 : i32
      %dma_wait3A_114 = arith.constant 0 : i32
      %dma_wait3A_115 = arith.constant 0 : i32
      %dma_wait3A_116 = arith.constant 0 : i32
      %dma_wait3A_117 = arith.constant 0 : i32
      %dma_wait3A_118 = tpu.memref_slice %arg8[%dma_wait3A_114, %dma_wait3A_115, %dma_wait3A_116, %dma_wait3A_117] : memref<2x2x256x64xf32, #tpu.memory_space<vmem>> -> memref<1x1x128x64xf32, #tpu.memory_space<vmem>>
      %dma_wait3A_119 = tpu.memref_squeeze %dma_wait3A_118 : memref<1x1x128x64xf32, #tpu.memory_space<vmem>> -> memref<128x64xf32, #tpu.memory_space<vmem>>
      %dma_wait3A_120 = arith.constant 0 : i32
      %dma_wait3A_121 = tpu.memref_slice %arg6[%dma_wait3A_113, %dma_wait3A_120] : memref<100x128xi32, #tpu.memory_space<vmem>> -> memref<1x128xi32, #tpu.memory_space<vmem>>
      %dma_wait3A_122 = tpu.memref_squeeze %dma_wait3A_121 : memref<1x128xi32, #tpu.memory_space<vmem>> -> memref<128xi32, #tpu.memory_space<vmem>>
      %dma_wait3A_123 = arith.constant 0 : i32
      %dma_wait3A_124 = arith.constant 0 : i32
      %dma_wait3A_125 = tpu.memref_slice %arg4[%dma_wait3A_123, %dma_wait3A_124] : memref<1000000x64xf32, #tpu.memory_space<hbm>> -> memref<1000000x64xf32, #tpu.memory_space<hbm>>
      tpu.wait_indirect_dma semaphore(%arg9 : memref<!tpu.dma_semaphore, #tpu.memory_space<semaphore_mem>>) src(%dma_wait3A_125 : memref<1000000x64xf32, #tpu.memory_space<hbm>>) dst(%dma_wait3A_119 : memref<128x64xf32, #tpu.memory_space<vmem>>)
      %dma_wait3A_126 = arith.constant 0 : i32
      %dma_wait3A_127 = arith.constant 0 : i32
      %dma_wait3A_128 = arith.constant 0 : i32
      %dma_wait3A_129 = arith.constant 0 : i32
      %dma_wait3A_130 = arith.constant 0 : i32
      %dma_wait3A_131 = tpu.memref_slice %arg8[%dma_wait3A_127, %dma_wait3A_128, %dma_wait3A_129, %dma_wait3A_130] : memref<2x2x256x64xf32, #tpu.memory_space<vmem>> -> memref<1x1x128x64xf32, #tpu.memory_space<vmem>>
      %dma_wait3A_132 = tpu.memref_squeeze %dma_wait3A_131 : memref<1x1x128x64xf32, #tpu.memory_space<vmem>> -> memref<128x64xf32, #tpu.memory_space<vmem>>
      %dma_wait3A_133 = arith.constant 0 : i32
      %dma_wait3A_134 = tpu.memref_slice %arg6[%dma_wait3A_126, %dma_wait3A_133] : memref<100x128xi32, #tpu.memory_space<vmem>> -> memref<1x128xi32, #tpu.memory_space<vmem>>
      %dma_wait3A_135 = tpu.memref_squeeze %dma_wait3A_134 : memref<1x128xi32, #tpu.memory_space<vmem>> -> memref<128xi32, #tpu.memory_space<vmem>>
      %dma_wait3A_136 = arith.constant 0 : i32
      %dma_wait3A_137 = arith.constant 0 : i32
      %dma_wait3A_138 = tpu.memref_slice %arg4[%dma_wait3A_136, %dma_wait3A_137] : memref<1000000x64xf32, #tpu.memory_space<hbm>> -> memref<1000000x64xf32, #tpu.memory_space<hbm>>
      tpu.wait_indirect_dma semaphore(%arg9 : memref<!tpu.dma_semaphore, #tpu.memory_space<semaphore_mem>>) src(%dma_wait3A_138 : memref<1000000x64xf32, #tpu.memory_space<hbm>>) dst(%dma_wait3A_132 : memref<128x64xf32, #tpu.memory_space<vmem>>)
      %dma_wait3A_139 = arith.constant 0 : i32
      %dma_wait3A_140 = arith.constant 0 : i32
      %dma_wait3A_141 = arith.constant 0 : i32
      %dma_wait3A_142 = arith.constant 0 : i32
      %dma_wait3A_143 = arith.constant 0 : i32
      %dma_wait3A_144 = tpu.memref_slice %arg8[%dma_wait3A_140, %dma_wait3A_141, %dma_wait3A_142, %dma_wait3A_143] : memref<2x2x256x64xf32, #tpu.memory_space<vmem>> -> memref<1x1x128x64xf32, #tpu.memory_space<vmem>>
      %dma_wait3A_145 = tpu.memref_squeeze %dma_wait3A_144 : memref<1x1x128x64xf32, #tpu.memory_space<vmem>> -> memref<128x64xf32, #tpu.memory_space<vmem>>
      %dma_wait3A_146 = arith.constant 0 : i32
      %dma_wait3A_147 = tpu.memref_slice %arg6[%dma_wait3A_139, %dma_wait3A_146] : memref<100x128xi32, #tpu.memory_space<vmem>> -> memref<1x128xi32, #tpu.memory_space<vmem>>
      %dma_wait3A_148 = tpu.memref_squeeze %dma_wait3A_147 : memref<1x128xi32, #tpu.memory_space<vmem>> -> memref<128xi32, #tpu.memory_space<vmem>>
      %dma_wait3A_149 = arith.constant 0 : i32
      %dma_wait3A_150 = arith.constant 0 : i32
      %dma_wait3A_151 = tpu.memref_slice %arg4[%dma_wait3A_149, %dma_wait3A_150] : memref<1000000x64xf32, #tpu.memory_space<hbm>> -> memref<1000000x64xf32, #tpu.memory_space<hbm>>
      tpu.wait_indirect_dma semaphore(%arg9 : memref<!tpu.dma_semaphore, #tpu.memory_space<semaphore_mem>>) src(%dma_wait3A_151 : memref<1000000x64xf32, #tpu.memory_space<hbm>>) dst(%dma_wait3A_145 : memref<128x64xf32, #tpu.memory_space<vmem>>)
      %mul3A_152 = arith.constant 256 : i32
      %mul3A_153 = arith.muli %add3A_99, %mul3A_152 : i32
      %add3A_154 = arith.addi %mul3A_2, %mul3A_153 : i32
      %dma_start3A_155 = arith.constant 0 : i32
      %dma_start3A_156 = arith.constant 0 : i32
      %dma_start3A_157 = arith.constant 0 : i32
      %dma_start3A_158 = arith.constant 0 : i32
      %dma_start3A_159 = tpu.memref_slice %arg8[%dma_start3A_155, %dma_start3A_156, %dma_start3A_157, %dma_start3A_158] : memref<2x2x256x64xf32, #tpu.memory_space<vmem>> -> memref<1x1x256x64xf32, #tpu.memory_space<vmem>>
      %dma_start3A_160 = tpu.memref_squeeze %dma_start3A_159 : memref<1x1x256x64xf32, #tpu.memory_space<vmem>> -> memref<256x64xf32, #tpu.memory_space<vmem>>
      %dma_start3A_161 = arith.constant 0 : i32
      %dma_start3A_162 = tpu.memref_slice %arg5[%add3A_154, %dma_start3A_161] : memref<409600x128xf32, #tpu.memory_space<hbm>> -> memref<256x64xf32, #tpu.memory_space<hbm>>
      %dma_start3A_163 = arith.constant 0 : i32
      %dma_start3A_164 = tpu.memref_slice %arg5[%add3A_154, %dma_start3A_163] : memref<409600x128xf32, #tpu.memory_space<hbm>> -> memref<256x64xf32, #tpu.memory_space<hbm>>
      %dma_start3A_165 = arith.constant 0 : i32
      %dma_start3A_166 = arith.constant 0 : i32
      %dma_start3A_167 = tpu.memref_slice %arg8[%dma_start3A_155, %dma_start3A_156, %dma_start3A_165, %dma_start3A_166] : memref<2x2x256x64xf32, #tpu.memory_space<vmem>> -> memref<1x1x256x64xf32, #tpu.memory_space<vmem>>
      %dma_start3A_168 = tpu.memref_squeeze %dma_start3A_167 : memref<1x1x256x64xf32, #tpu.memory_space<vmem>> -> memref<256x64xf32, #tpu.memory_space<vmem>>
      tpu.enqueue_dma source(%dma_start3A_168 : memref<256x64xf32, #tpu.memory_space<vmem>>) target(%dma_start3A_164 : memref<256x64xf32, #tpu.memory_space<hbm>>) target_semaphore(%arg11 : memref<!tpu.dma_semaphore, #tpu.memory_space<semaphore_mem>>)
      %mul3A_169 = arith.constant 256 : i32
      %mul3A_170 = arith.muli %add3A_99, %mul3A_169 : i32
      %add3A_171 = arith.addi %mul3A_2, %mul3A_170 : i32
      %dma_start3A_172 = arith.constant 0 : i32
      %dma_start3A_173 = arith.constant 1 : i32
      %dma_start3A_174 = arith.constant 0 : i32
      %dma_start3A_175 = arith.constant 0 : i32
      %dma_start3A_176 = tpu.memref_slice %arg8[%dma_start3A_172, %dma_start3A_173, %dma_start3A_174, %dma_start3A_175] : memref<2x2x256x64xf32, #tpu.memory_space<vmem>> -> memref<1x1x256x64xf32, #tpu.memory_space<vmem>>
      %dma_start3A_177 = tpu.memref_squeeze %dma_start3A_176 : memref<1x1x256x64xf32, #tpu.memory_space<vmem>> -> memref<256x64xf32, #tpu.memory_space<vmem>>
      %dma_start3A_178 = arith.constant 64 : i32
      %dma_start3A_179 = tpu.memref_slice %arg5[%add3A_171, %dma_start3A_178] : memref<409600x128xf32, #tpu.memory_space<hbm>> -> memref<256x64xf32, #tpu.memory_space<hbm>>
      %dma_start3A_180 = arith.constant 64 : i32
      %dma_start3A_181 = tpu.memref_slice %arg5[%add3A_171, %dma_start3A_180] : memref<409600x128xf32, #tpu.memory_space<hbm>> -> memref<256x64xf32, #tpu.memory_space<hbm>>
      %dma_start3A_182 = arith.constant 0 : i32
      %dma_start3A_183 = arith.constant 0 : i32
      %dma_start3A_184 = tpu.memref_slice %arg8[%dma_start3A_172, %dma_start3A_173, %dma_start3A_182, %dma_start3A_183] : memref<2x2x256x64xf32, #tpu.memory_space<vmem>> -> memref<1x1x256x64xf32, #tpu.memory_space<vmem>>
      %dma_start3A_185 = tpu.memref_squeeze %dma_start3A_184 : memref<1x1x256x64xf32, #tpu.memory_space<vmem>> -> memref<256x64xf32, #tpu.memory_space<vmem>>
      tpu.enqueue_dma source(%dma_start3A_185 : memref<256x64xf32, #tpu.memory_space<vmem>>) target(%dma_start3A_181 : memref<256x64xf32, #tpu.memory_space<hbm>>) target_semaphore(%arg11 : memref<!tpu.dma_semaphore, #tpu.memory_space<semaphore_mem>>)
      %gt3A = arith.constant 0 : i32
      %gt3A_186 = arith.cmpi sgt, %add3A_97, %gt3A : i32
      %convert_element_type3A = arith.extui %gt3A_186 : i1 to i32
      %cond3A = arith.constant 0 : i32
      %cond3A_187 = arith.cmpi ne, %convert_element_type3A, %cond3A : i32
      scf.if %cond3A_187 {
        %add3A_372 = arith.constant 0 : i32
        %add3A_373 = arith.addi %mul3A_2, %add3A_372 : i32
        %dma_wait3A_374 = arith.constant 1 : i32
        %dma_wait3A_375 = arith.constant 0 : i32
        %dma_wait3A_376 = arith.constant 0 : i32
        %dma_wait3A_377 = arith.constant 0 : i32
        %dma_wait3A_378 = tpu.memref_slice %arg8[%dma_wait3A_374, %dma_wait3A_375, %dma_wait3A_376, %dma_wait3A_377] : memref<2x2x256x64xf32, #tpu.memory_space<vmem>> -> memref<1x1x256x64xf32, #tpu.memory_space<vmem>>
        %dma_wait3A_379 = tpu.memref_squeeze %dma_wait3A_378 : memref<1x1x256x64xf32, #tpu.memory_space<vmem>> -> memref<256x64xf32, #tpu.memory_space<vmem>>
        %dma_wait3A_380 = arith.constant 0 : i32
        %dma_wait3A_381 = tpu.memref_slice %arg5[%add3A_373, %dma_wait3A_380] : memref<409600x128xf32, #tpu.memory_space<hbm>> -> memref<256x64xf32, #tpu.memory_space<hbm>>
        %dma_wait3A_382 = arith.constant 0 : i32
        %dma_wait3A_383 = tpu.memref_slice %arg5[%add3A_373, %dma_wait3A_382] : memref<409600x128xf32, #tpu.memory_space<hbm>> -> memref<256x64xf32, #tpu.memory_space<hbm>>
        %dma_wait3A_384 = arith.constant 0 : i32
        %dma_wait3A_385 = arith.constant 0 : i32
        %dma_wait3A_386 = tpu.memref_slice %arg8[%dma_wait3A_374, %dma_wait3A_375, %dma_wait3A_384, %dma_wait3A_385] : memref<2x2x256x64xf32, #tpu.memory_space<vmem>> -> memref<1x1x256x64xf32, #tpu.memory_space<vmem>>
        %dma_wait3A_387 = tpu.memref_squeeze %dma_wait3A_386 : memref<1x1x256x64xf32, #tpu.memory_space<vmem>> -> memref<256x64xf32, #tpu.memory_space<vmem>>
        tpu.wait_dma2 semaphore(%arg12 : memref<!tpu.dma_semaphore, #tpu.memory_space<semaphore_mem>>) src(%dma_wait3A_387 : memref<256x64xf32, #tpu.memory_space<vmem>>) dst(%dma_wait3A_383 : memref<256x64xf32, #tpu.memory_space<hbm>>)
        %add3A_388 = arith.constant 0 : i32
        %add3A_389 = arith.addi %mul3A_2, %add3A_388 : i32
        %dma_wait3A_390 = arith.constant 1 : i32
        %dma_wait3A_391 = arith.constant 1 : i32
        %dma_wait3A_392 = arith.constant 0 : i32
        %dma_wait3A_393 = arith.constant 0 : i32
        %dma_wait3A_394 = tpu.memref_slice %arg8[%dma_wait3A_390, %dma_wait3A_391, %dma_wait3A_392, %dma_wait3A_393] : memref<2x2x256x64xf32, #tpu.memory_space<vmem>> -> memref<1x1x256x64xf32, #tpu.memory_space<vmem>>
        %dma_wait3A_395 = tpu.memref_squeeze %dma_wait3A_394 : memref<1x1x256x64xf32, #tpu.memory_space<vmem>> -> memref<256x64xf32, #tpu.memory_space<vmem>>
        %dma_wait3A_396 = arith.constant 64 : i32
        %dma_wait3A_397 = tpu.memref_slice %arg5[%add3A_389, %dma_wait3A_396] : memref<409600x128xf32, #tpu.memory_space<hbm>> -> memref<256x64xf32, #tpu.memory_space<hbm>>
        %dma_wait3A_398 = arith.constant 64 : i32
        %dma_wait3A_399 = tpu.memref_slice %arg5[%add3A_389, %dma_wait3A_398] : memref<409600x128xf32, #tpu.memory_space<hbm>> -> memref<256x64xf32, #tpu.memory_space<hbm>>
        %dma_wait3A_400 = arith.constant 0 : i32
        %dma_wait3A_401 = arith.constant 0 : i32
        %dma_wait3A_402 = tpu.memref_slice %arg8[%dma_wait3A_390, %dma_wait3A_391, %dma_wait3A_400, %dma_wait3A_401] : memref<2x2x256x64xf32, #tpu.memory_space<vmem>> -> memref<1x1x256x64xf32, #tpu.memory_space<vmem>>
        %dma_wait3A_403 = tpu.memref_squeeze %dma_wait3A_402 : memref<1x1x256x64xf32, #tpu.memory_space<vmem>> -> memref<256x64xf32, #tpu.memory_space<vmem>>
        tpu.wait_dma2 semaphore(%arg12 : memref<!tpu.dma_semaphore, #tpu.memory_space<semaphore_mem>>) src(%dma_wait3A_403 : memref<256x64xf32, #tpu.memory_space<vmem>>) dst(%dma_wait3A_399 : memref<256x64xf32, #tpu.memory_space<hbm>>)
      } else {
      }
      %add3A_188 = arith.constant 1 : i32
      %add3A_189 = arith.addi %add3A_99, %add3A_188 : i32
      %mul3A_190 = arith.constant 2 : i32
      %mul3A_191 = arith.muli %add3A_189, %mul3A_190 : i32
      %add3A_192 = arith.constant 0 : i32
      %add3A_193 = arith.addi %mul3A_191, %add3A_192 : i32
      %dma_start3A_194 = arith.constant 1 : i32
      %dma_start3A_195 = arith.constant 0 : i32
      %dma_start3A_196 = arith.constant 0 : i32
      %dma_start3A_197 = arith.constant 0 : i32
      %dma_start3A_198 = tpu.memref_slice %arg8[%dma_start3A_194, %dma_start3A_195, %dma_start3A_196, %dma_start3A_197] : memref<2x2x256x64xf32, #tpu.memory_space<vmem>> -> memref<1x1x128x64xf32, #tpu.memory_space<vmem>>
      %dma_start3A_199 = tpu.memref_squeeze %dma_start3A_198 : memref<1x1x128x64xf32, #tpu.memory_space<vmem>> -> memref<128x64xf32, #tpu.memory_space<vmem>>
      %dma_start3A_200 = arith.constant 0 : i32
      %dma_start3A_201 = tpu.memref_slice %arg6[%add3A_193, %dma_start3A_200] : memref<100x128xi32, #tpu.memory_space<vmem>> -> memref<1x128xi32, #tpu.memory_space<vmem>>
      %dma_start3A_202 = tpu.memref_squeeze %dma_start3A_201 : memref<1x128xi32, #tpu.memory_space<vmem>> -> memref<128xi32, #tpu.memory_space<vmem>>
      %dma_start3A_203 = arith.constant 0 : i32
      %dma_start3A_204 = arith.constant 0 : i32
      %dma_start3A_205 = tpu.memref_slice %arg4[%dma_start3A_203, %dma_start3A_204] : memref<1000000x64xf32, #tpu.memory_space<hbm>> -> memref<1000000x64xf32, #tpu.memory_space<hbm>>
      tpu.enqueue_indirect_dma source(%dma_start3A_205 : memref<1000000x64xf32, #tpu.memory_space<hbm>>) target(%dma_start3A_199 : memref<128x64xf32, #tpu.memory_space<vmem>>) offsets(%dma_start3A_202 : memref<128xi32, #tpu.memory_space<vmem>>) semaphore(%arg10 : memref<!tpu.dma_semaphore, #tpu.memory_space<semaphore_mem>>)
      %dma_start3A_206 = arith.constant 1 : i32
      %dma_start3A_207 = arith.constant 1 : i32
      %dma_start3A_208 = arith.constant 0 : i32
      %dma_start3A_209 = arith.constant 0 : i32
      %dma_start3A_210 = tpu.memref_slice %arg8[%dma_start3A_206, %dma_start3A_207, %dma_start3A_208, %dma_start3A_209] : memref<2x2x256x64xf32, #tpu.memory_space<vmem>> -> memref<1x1x128x64xf32, #tpu.memory_space<vmem>>
      %dma_start3A_211 = tpu.memref_squeeze %dma_start3A_210 : memref<1x1x128x64xf32, #tpu.memory_space<vmem>> -> memref<128x64xf32, #tpu.memory_space<vmem>>
      %dma_start3A_212 = arith.constant 0 : i32
      %dma_start3A_213 = tpu.memref_slice %arg7[%add3A_193, %dma_start3A_212] : memref<100x128xi32, #tpu.memory_space<vmem>> -> memref<1x128xi32, #tpu.memory_space<vmem>>
      %dma_start3A_214 = tpu.memref_squeeze %dma_start3A_213 : memref<1x128xi32, #tpu.memory_space<vmem>> -> memref<128xi32, #tpu.memory_space<vmem>>
      %dma_start3A_215 = arith.constant 0 : i32
      %dma_start3A_216 = arith.constant 0 : i32
      %dma_start3A_217 = tpu.memref_slice %arg4[%dma_start3A_215, %dma_start3A_216] : memref<1000000x64xf32, #tpu.memory_space<hbm>> -> memref<1000000x64xf32, #tpu.memory_space<hbm>>
      tpu.enqueue_indirect_dma source(%dma_start3A_217 : memref<1000000x64xf32, #tpu.memory_space<hbm>>) target(%dma_start3A_211 : memref<128x64xf32, #tpu.memory_space<vmem>>) offsets(%dma_start3A_214 : memref<128xi32, #tpu.memory_space<vmem>>) semaphore(%arg10 : memref<!tpu.dma_semaphore, #tpu.memory_space<semaphore_mem>>)
      %mul3A_218 = arith.constant 2 : i32
      %mul3A_219 = arith.muli %add3A_189, %mul3A_218 : i32
      %add3A_220 = arith.constant 1 : i32
      %add3A_221 = arith.addi %mul3A_219, %add3A_220 : i32
      %dma_start3A_222 = arith.constant 1 : i32
      %dma_start3A_223 = arith.constant 0 : i32
      %dma_start3A_224 = arith.constant 128 : i32
      %dma_start3A_225 = arith.constant 0 : i32
      %dma_start3A_226 = tpu.memref_slice %arg8[%dma_start3A_222, %dma_start3A_223, %dma_start3A_224, %dma_start3A_225] : memref<2x2x256x64xf32, #tpu.memory_space<vmem>> -> memref<1x1x128x64xf32, #tpu.memory_space<vmem>>
      %dma_start3A_227 = tpu.memref_squeeze %dma_start3A_226 : memref<1x1x128x64xf32, #tpu.memory_space<vmem>> -> memref<128x64xf32, #tpu.memory_space<vmem>>
      %dma_start3A_228 = arith.constant 0 : i32
      %dma_start3A_229 = tpu.memref_slice %arg6[%add3A_221, %dma_start3A_228] : memref<100x128xi32, #tpu.memory_space<vmem>> -> memref<1x128xi32, #tpu.memory_space<vmem>>
      %dma_start3A_230 = tpu.memref_squeeze %dma_start3A_229 : memref<1x128xi32, #tpu.memory_space<vmem>> -> memref<128xi32, #tpu.memory_space<vmem>>
      %dma_start3A_231 = arith.constant 0 : i32
      %dma_start3A_232 = arith.constant 0 : i32
      %dma_start3A_233 = tpu.memref_slice %arg4[%dma_start3A_231, %dma_start3A_232] : memref<1000000x64xf32, #tpu.memory_space<hbm>> -> memref<1000000x64xf32, #tpu.memory_space<hbm>>
      tpu.enqueue_indirect_dma source(%dma_start3A_233 : memref<1000000x64xf32, #tpu.memory_space<hbm>>) target(%dma_start3A_227 : memref<128x64xf32, #tpu.memory_space<vmem>>) offsets(%dma_start3A_230 : memref<128xi32, #tpu.memory_space<vmem>>) semaphore(%arg10 : memref<!tpu.dma_semaphore, #tpu.memory_space<semaphore_mem>>)
      %dma_start3A_234 = arith.constant 1 : i32
      %dma_start3A_235 = arith.constant 1 : i32
      %dma_start3A_236 = arith.constant 128 : i32
      %dma_start3A_237 = arith.constant 0 : i32
      %dma_start3A_238 = tpu.memref_slice %arg8[%dma_start3A_234, %dma_start3A_235, %dma_start3A_236, %dma_start3A_237] : memref<2x2x256x64xf32, #tpu.memory_space<vmem>> -> memref<1x1x128x64xf32, #tpu.memory_space<vmem>>
      %dma_start3A_239 = tpu.memref_squeeze %dma_start3A_238 : memref<1x1x128x64xf32, #tpu.memory_space<vmem>> -> memref<128x64xf32, #tpu.memory_space<vmem>>
      %dma_start3A_240 = arith.constant 0 : i32
      %dma_start3A_241 = tpu.memref_slice %arg7[%add3A_221, %dma_start3A_240] : memref<100x128xi32, #tpu.memory_space<vmem>> -> memref<1x128xi32, #tpu.memory_space<vmem>>
      %dma_start3A_242 = tpu.memref_squeeze %dma_start3A_241 : memref<1x128xi32, #tpu.memory_space<vmem>> -> memref<128xi32, #tpu.memory_space<vmem>>
      %dma_start3A_243 = arith.constant 0 : i32
      %dma_start3A_244 = arith.constant 0 : i32
      %dma_start3A_245 = tpu.memref_slice %arg4[%dma_start3A_243, %dma_start3A_244] : memref<1000000x64xf32, #tpu.memory_space<hbm>> -> memref<1000000x64xf32, #tpu.memory_space<hbm>>
      tpu.enqueue_indirect_dma source(%dma_start3A_245 : memref<1000000x64xf32, #tpu.memory_space<hbm>>) target(%dma_start3A_239 : memref<128x64xf32, #tpu.memory_space<vmem>>) offsets(%dma_start3A_242 : memref<128xi32, #tpu.memory_space<vmem>>) semaphore(%arg10 : memref<!tpu.dma_semaphore, #tpu.memory_space<semaphore_mem>>)
      %add3A_246 = arith.constant 1 : i32
      %add3A_247 = arith.addi %add3A_97, %add3A_246 : i32
      %dma_wait3A_248 = arith.constant 0 : i32
      %dma_wait3A_249 = arith.constant 1 : i32
      %dma_wait3A_250 = arith.constant 0 : i32
      %dma_wait3A_251 = arith.constant 0 : i32
      %dma_wait3A_252 = arith.constant 0 : i32
      %dma_wait3A_253 = tpu.memref_slice %arg8[%dma_wait3A_249, %dma_wait3A_250, %dma_wait3A_251, %dma_wait3A_252] : memref<2x2x256x64xf32, #tpu.memory_space<vmem>> -> memref<1x1x128x64xf32, #tpu.memory_space<vmem>>
      %dma_wait3A_254 = tpu.memref_squeeze %dma_wait3A_253 : memref<1x1x128x64xf32, #tpu.memory_space<vmem>> -> memref<128x64xf32, #tpu.memory_space<vmem>>
      %dma_wait3A_255 = arith.constant 0 : i32
      %dma_wait3A_256 = tpu.memref_slice %arg6[%dma_wait3A_248, %dma_wait3A_255] : memref<100x128xi32, #tpu.memory_space<vmem>> -> memref<1x128xi32, #tpu.memory_space<vmem>>
      %dma_wait3A_257 = tpu.memref_squeeze %dma_wait3A_256 : memref<1x128xi32, #tpu.memory_space<vmem>> -> memref<128xi32, #tpu.memory_space<vmem>>
      %dma_wait3A_258 = arith.constant 0 : i32
      %dma_wait3A_259 = arith.constant 0 : i32
      %dma_wait3A_260 = tpu.memref_slice %arg4[%dma_wait3A_258, %dma_wait3A_259] : memref<1000000x64xf32, #tpu.memory_space<hbm>> -> memref<1000000x64xf32, #tpu.memory_space<hbm>>
      tpu.wait_indirect_dma semaphore(%arg10 : memref<!tpu.dma_semaphore, #tpu.memory_space<semaphore_mem>>) src(%dma_wait3A_260 : memref<1000000x64xf32, #tpu.memory_space<hbm>>) dst(%dma_wait3A_254 : memref<128x64xf32, #tpu.memory_space<vmem>>)
      %dma_wait3A_261 = arith.constant 0 : i32
      %dma_wait3A_262 = arith.constant 1 : i32
      %dma_wait3A_263 = arith.constant 0 : i32
      %dma_wait3A_264 = arith.constant 0 : i32
      %dma_wait3A_265 = arith.constant 0 : i32
      %dma_wait3A_266 = tpu.memref_slice %arg8[%dma_wait3A_262, %dma_wait3A_263, %dma_wait3A_264, %dma_wait3A_265] : memref<2x2x256x64xf32, #tpu.memory_space<vmem>> -> memref<1x1x128x64xf32, #tpu.memory_space<vmem>>
      %dma_wait3A_267 = tpu.memref_squeeze %dma_wait3A_266 : memref<1x1x128x64xf32, #tpu.memory_space<vmem>> -> memref<128x64xf32, #tpu.memory_space<vmem>>
      %dma_wait3A_268 = arith.constant 0 : i32
      %dma_wait3A_269 = tpu.memref_slice %arg6[%dma_wait3A_261, %dma_wait3A_268] : memref<100x128xi32, #tpu.memory_space<vmem>> -> memref<1x128xi32, #tpu.memory_space<vmem>>
      %dma_wait3A_270 = tpu.memref_squeeze %dma_wait3A_269 : memref<1x128xi32, #tpu.memory_space<vmem>> -> memref<128xi32, #tpu.memory_space<vmem>>
      %dma_wait3A_271 = arith.constant 0 : i32
      %dma_wait3A_272 = arith.constant 0 : i32
      %dma_wait3A_273 = tpu.memref_slice %arg4[%dma_wait3A_271, %dma_wait3A_272] : memref<1000000x64xf32, #tpu.memory_space<hbm>> -> memref<1000000x64xf32, #tpu.memory_space<hbm>>
      tpu.wait_indirect_dma semaphore(%arg10 : memref<!tpu.dma_semaphore, #tpu.memory_space<semaphore_mem>>) src(%dma_wait3A_273 : memref<1000000x64xf32, #tpu.memory_space<hbm>>) dst(%dma_wait3A_267 : memref<128x64xf32, #tpu.memory_space<vmem>>)
      %dma_wait3A_274 = arith.constant 0 : i32
      %dma_wait3A_275 = arith.constant 1 : i32
      %dma_wait3A_276 = arith.constant 0 : i32
      %dma_wait3A_277 = arith.constant 0 : i32
      %dma_wait3A_278 = arith.constant 0 : i32
      %dma_wait3A_279 = tpu.memref_slice %arg8[%dma_wait3A_275, %dma_wait3A_276, %dma_wait3A_277, %dma_wait3A_278] : memref<2x2x256x64xf32, #tpu.memory_space<vmem>> -> memref<1x1x128x64xf32, #tpu.memory_space<vmem>>
      %dma_wait3A_280 = tpu.memref_squeeze %dma_wait3A_279 : memref<1x1x128x64xf32, #tpu.memory_space<vmem>> -> memref<128x64xf32, #tpu.memory_space<vmem>>
      %dma_wait3A_281 = arith.constant 0 : i32
      %dma_wait3A_282 = tpu.memref_slice %arg6[%dma_wait3A_274, %dma_wait3A_281] : memref<100x128xi32, #tpu.memory_space<vmem>> -> memref<1x128xi32, #tpu.memory_space<vmem>>
      %dma_wait3A_283 = tpu.memref_squeeze %dma_wait3A_282 : memref<1x128xi32, #tpu.memory_space<vmem>> -> memref<128xi32, #tpu.memory_space<vmem>>
      %dma_wait3A_284 = arith.constant 0 : i32
      %dma_wait3A_285 = arith.constant 0 : i32
      %dma_wait3A_286 = tpu.memref_slice %arg4[%dma_wait3A_284, %dma_wait3A_285] : memref<1000000x64xf32, #tpu.memory_space<hbm>> -> memref<1000000x64xf32, #tpu.memory_space<hbm>>
      tpu.wait_indirect_dma semaphore(%arg10 : memref<!tpu.dma_semaphore, #tpu.memory_space<semaphore_mem>>) src(%dma_wait3A_286 : memref<1000000x64xf32, #tpu.memory_space<hbm>>) dst(%dma_wait3A_280 : memref<128x64xf32, #tpu.memory_space<vmem>>)
      %dma_wait3A_287 = arith.constant 0 : i32
      %dma_wait3A_288 = arith.constant 1 : i32
      %dma_wait3A_289 = arith.constant 0 : i32
      %dma_wait3A_290 = arith.constant 0 : i32
      %dma_wait3A_291 = arith.constant 0 : i32
      %dma_wait3A_292 = tpu.memref_slice %arg8[%dma_wait3A_288, %dma_wait3A_289, %dma_wait3A_290, %dma_wait3A_291] : memref<2x2x256x64xf32, #tpu.memory_space<vmem>> -> memref<1x1x128x64xf32, #tpu.memory_space<vmem>>
      %dma_wait3A_293 = tpu.memref_squeeze %dma_wait3A_292 : memref<1x1x128x64xf32, #tpu.memory_space<vmem>> -> memref<128x64xf32, #tpu.memory_space<vmem>>
      %dma_wait3A_294 = arith.constant 0 : i32
      %dma_wait3A_295 = tpu.memref_slice %arg6[%dma_wait3A_287, %dma_wait3A_294] : memref<100x128xi32, #tpu.memory_space<vmem>> -> memref<1x128xi32, #tpu.memory_space<vmem>>
      %dma_wait3A_296 = tpu.memref_squeeze %dma_wait3A_295 : memref<1x128xi32, #tpu.memory_space<vmem>> -> memref<128xi32, #tpu.memory_space<vmem>>
      %dma_wait3A_297 = arith.constant 0 : i32
      %dma_wait3A_298 = arith.constant 0 : i32
      %dma_wait3A_299 = tpu.memref_slice %arg4[%dma_wait3A_297, %dma_wait3A_298] : memref<1000000x64xf32, #tpu.memory_space<hbm>> -> memref<1000000x64xf32, #tpu.memory_space<hbm>>
      tpu.wait_indirect_dma semaphore(%arg10 : memref<!tpu.dma_semaphore, #tpu.memory_space<semaphore_mem>>) src(%dma_wait3A_299 : memref<1000000x64xf32, #tpu.memory_space<hbm>>) dst(%dma_wait3A_293 : memref<128x64xf32, #tpu.memory_space<vmem>>)
      %mul3A_300 = arith.constant 256 : i32
      %mul3A_301 = arith.muli %add3A_247, %mul3A_300 : i32
      %add3A_302 = arith.addi %mul3A_2, %mul3A_301 : i32
      %dma_start3A_303 = arith.constant 1 : i32
      %dma_start3A_304 = arith.constant 0 : i32
      %dma_start3A_305 = arith.constant 0 : i32
      %dma_start3A_306 = arith.constant 0 : i32
      %dma_start3A_307 = tpu.memref_slice %arg8[%dma_start3A_303, %dma_start3A_304, %dma_start3A_305, %dma_start3A_306] : memref<2x2x256x64xf32, #tpu.memory_space<vmem>> -> memref<1x1x256x64xf32, #tpu.memory_space<vmem>>
      %dma_start3A_308 = tpu.memref_squeeze %dma_start3A_307 : memref<1x1x256x64xf32, #tpu.memory_space<vmem>> -> memref<256x64xf32, #tpu.memory_space<vmem>>
      %dma_start3A_309 = arith.constant 0 : i32
      %dma_start3A_310 = tpu.memref_slice %arg5[%add3A_302, %dma_start3A_309] : memref<409600x128xf32, #tpu.memory_space<hbm>> -> memref<256x64xf32, #tpu.memory_space<hbm>>
      %dma_start3A_311 = arith.constant 0 : i32
      %dma_start3A_312 = tpu.memref_slice %arg5[%add3A_302, %dma_start3A_311] : memref<409600x128xf32, #tpu.memory_space<hbm>> -> memref<256x64xf32, #tpu.memory_space<hbm>>
      %dma_start3A_313 = arith.constant 0 : i32
      %dma_start3A_314 = arith.constant 0 : i32
      %dma_start3A_315 = tpu.memref_slice %arg8[%dma_start3A_303, %dma_start3A_304, %dma_start3A_313, %dma_start3A_314] : memref<2x2x256x64xf32, #tpu.memory_space<vmem>> -> memref<1x1x256x64xf32, #tpu.memory_space<vmem>>
      %dma_start3A_316 = tpu.memref_squeeze %dma_start3A_315 : memref<1x1x256x64xf32, #tpu.memory_space<vmem>> -> memref<256x64xf32, #tpu.memory_space<vmem>>
      tpu.enqueue_dma source(%dma_start3A_316 : memref<256x64xf32, #tpu.memory_space<vmem>>) target(%dma_start3A_312 : memref<256x64xf32, #tpu.memory_space<hbm>>) target_semaphore(%arg12 : memref<!tpu.dma_semaphore, #tpu.memory_space<semaphore_mem>>)
      %mul3A_317 = arith.constant 256 : i32
      %mul3A_318 = arith.muli %add3A_247, %mul3A_317 : i32
      %add3A_319 = arith.addi %mul3A_2, %mul3A_318 : i32
      %dma_start3A_320 = arith.constant 1 : i32
      %dma_start3A_321 = arith.constant 1 : i32
      %dma_start3A_322 = arith.constant 0 : i32
      %dma_start3A_323 = arith.constant 0 : i32
      %dma_start3A_324 = tpu.memref_slice %arg8[%dma_start3A_320, %dma_start3A_321, %dma_start3A_322, %dma_start3A_323] : memref<2x2x256x64xf32, #tpu.memory_space<vmem>> -> memref<1x1x256x64xf32, #tpu.memory_space<vmem>>
      %dma_start3A_325 = tpu.memref_squeeze %dma_start3A_324 : memref<1x1x256x64xf32, #tpu.memory_space<vmem>> -> memref<256x64xf32, #tpu.memory_space<vmem>>
      %dma_start3A_326 = arith.constant 64 : i32
      %dma_start3A_327 = tpu.memref_slice %arg5[%add3A_319, %dma_start3A_326] : memref<409600x128xf32, #tpu.memory_space<hbm>> -> memref<256x64xf32, #tpu.memory_space<hbm>>
      %dma_start3A_328 = arith.constant 64 : i32
      %dma_start3A_329 = tpu.memref_slice %arg5[%add3A_319, %dma_start3A_328] : memref<409600x128xf32, #tpu.memory_space<hbm>> -> memref<256x64xf32, #tpu.memory_space<hbm>>
      %dma_start3A_330 = arith.constant 0 : i32
      %dma_start3A_331 = arith.constant 0 : i32
      %dma_start3A_332 = tpu.memref_slice %arg8[%dma_start3A_320, %dma_start3A_321, %dma_start3A_330, %dma_start3A_331] : memref<2x2x256x64xf32, #tpu.memory_space<vmem>> -> memref<1x1x256x64xf32, #tpu.memory_space<vmem>>
      %dma_start3A_333 = tpu.memref_squeeze %dma_start3A_332 : memref<1x1x256x64xf32, #tpu.memory_space<vmem>> -> memref<256x64xf32, #tpu.memory_space<vmem>>
      tpu.enqueue_dma source(%dma_start3A_333 : memref<256x64xf32, #tpu.memory_space<vmem>>) target(%dma_start3A_329 : memref<256x64xf32, #tpu.memory_space<hbm>>) target_semaphore(%arg12 : memref<!tpu.dma_semaphore, #tpu.memory_space<semaphore_mem>>)
      %add3A_334 = arith.constant 0 : i32
      %add3A_335 = arith.addi %mul3A_2, %add3A_334 : i32
      %dma_wait3A_336 = arith.constant 0 : i32
      %dma_wait3A_337 = arith.constant 0 : i32
      %dma_wait3A_338 = arith.constant 0 : i32
      %dma_wait3A_339 = arith.constant 0 : i32
      %dma_wait3A_340 = tpu.memref_slice %arg8[%dma_wait3A_336, %dma_wait3A_337, %dma_wait3A_338, %dma_wait3A_339] : memref<2x2x256x64xf32, #tpu.memory_space<vmem>> -> memref<1x1x256x64xf32, #tpu.memory_space<vmem>>
      %dma_wait3A_341 = tpu.memref_squeeze %dma_wait3A_340 : memref<1x1x256x64xf32, #tpu.memory_space<vmem>> -> memref<256x64xf32, #tpu.memory_space<vmem>>
      %dma_wait3A_342 = arith.constant 0 : i32
      %dma_wait3A_343 = tpu.memref_slice %arg5[%add3A_335, %dma_wait3A_342] : memref<409600x128xf32, #tpu.memory_space<hbm>> -> memref<256x64xf32, #tpu.memory_space<hbm>>
      %dma_wait3A_344 = arith.constant 0 : i32
      %dma_wait3A_345 = tpu.memref_slice %arg5[%add3A_335, %dma_wait3A_344] : memref<409600x128xf32, #tpu.memory_space<hbm>> -> memref<256x64xf32, #tpu.memory_space<hbm>>
      %dma_wait3A_346 = arith.constant 0 : i32
      %dma_wait3A_347 = arith.constant 0 : i32
      %dma_wait3A_348 = tpu.memref_slice %arg8[%dma_wait3A_336, %dma_wait3A_337, %dma_wait3A_346, %dma_wait3A_347] : memref<2x2x256x64xf32, #tpu.memory_space<vmem>> -> memref<1x1x256x64xf32, #tpu.memory_space<vmem>>
      %dma_wait3A_349 = tpu.memref_squeeze %dma_wait3A_348 : memref<1x1x256x64xf32, #tpu.memory_space<vmem>> -> memref<256x64xf32, #tpu.memory_space<vmem>>
      tpu.wait_dma2 semaphore(%arg11 : memref<!tpu.dma_semaphore, #tpu.memory_space<semaphore_mem>>) src(%dma_wait3A_349 : memref<256x64xf32, #tpu.memory_space<vmem>>) dst(%dma_wait3A_345 : memref<256x64xf32, #tpu.memory_space<hbm>>)
      %add3A_350 = arith.constant 0 : i32
      %add3A_351 = arith.addi %mul3A_2, %add3A_350 : i32
      %dma_wait3A_352 = arith.constant 0 : i32
      %dma_wait3A_353 = arith.constant 1 : i32
      %dma_wait3A_354 = arith.constant 0 : i32
      %dma_wait3A_355 = arith.constant 0 : i32
      %dma_wait3A_356 = tpu.memref_slice %arg8[%dma_wait3A_352, %dma_wait3A_353, %dma_wait3A_354, %dma_wait3A_355] : memref<2x2x256x64xf32, #tpu.memory_space<vmem>> -> memref<1x1x256x64xf32, #tpu.memory_space<vmem>>
      %dma_wait3A_357 = tpu.memref_squeeze %dma_wait3A_356 : memref<1x1x256x64xf32, #tpu.memory_space<vmem>> -> memref<256x64xf32, #tpu.memory_space<vmem>>
      %dma_wait3A_358 = arith.constant 64 : i32
      %dma_wait3A_359 = tpu.memref_slice %arg5[%add3A_351, %dma_wait3A_358] : memref<409600x128xf32, #tpu.memory_space<hbm>> -> memref<256x64xf32, #tpu.memory_space<hbm>>
      %dma_wait3A_360 = arith.constant 64 : i32
      %dma_wait3A_361 = tpu.memref_slice %arg5[%add3A_351, %dma_wait3A_360] : memref<409600x128xf32, #tpu.memory_space<hbm>> -> memref<256x64xf32, #tpu.memory_space<hbm>>
      %dma_wait3A_362 = arith.constant 0 : i32
      %dma_wait3A_363 = arith.constant 0 : i32
      %dma_wait3A_364 = tpu.memref_slice %arg8[%dma_wait3A_352, %dma_wait3A_353, %dma_wait3A_362, %dma_wait3A_363] : memref<2x2x256x64xf32, #tpu.memory_space<vmem>> -> memref<1x1x256x64xf32, #tpu.memory_space<vmem>>
      %dma_wait3A_365 = tpu.memref_squeeze %dma_wait3A_364 : memref<1x1x256x64xf32, #tpu.memory_space<vmem>> -> memref<256x64xf32, #tpu.memory_space<vmem>>
      tpu.wait_dma2 semaphore(%arg11 : memref<!tpu.dma_semaphore, #tpu.memory_space<semaphore_mem>>) src(%dma_wait3A_365 : memref<256x64xf32, #tpu.memory_space<vmem>>) dst(%dma_wait3A_361 : memref<256x64xf32, #tpu.memory_space<hbm>>)
      %add3A_366 = arith.constant 2 : i32
      %add3A_367 = arith.addi %add3A_97, %add3A_366 : i32
      %lt3A = arith.constant 50 : i32
      %lt3A_368 = arith.cmpi slt, %add3A_367, %lt3A : i32
      %convert_element_type3A_369 = arith.extui %lt3A_368 : i1 to i32
      %cond3A_370 = arith.constant 0 : i32
      %cond3A_371 = arith.cmpi ne, %convert_element_type3A_369, %cond3A_370 : i32
      scf.if %cond3A_371 {
        %add3A_372 = arith.constant 1 : i32
        %add3A_373 = arith.addi %add3A_247, %add3A_372 : i32
        %mul3A_374 = arith.constant 2 : i32
        %mul3A_375 = arith.muli %add3A_373, %mul3A_374 : i32
        %add3A_376 = arith.constant 0 : i32
        %add3A_377 = arith.addi %mul3A_375, %add3A_376 : i32
        %dma_start3A_378 = arith.constant 0 : i32
        %dma_start3A_379 = arith.constant 0 : i32
        %dma_start3A_380 = arith.constant 0 : i32
        %dma_start3A_381 = arith.constant 0 : i32
        %dma_start3A_382 = tpu.memref_slice %arg8[%dma_start3A_378, %dma_start3A_379, %dma_start3A_380, %dma_start3A_381] : memref<2x2x256x64xf32, #tpu.memory_space<vmem>> -> memref<1x1x128x64xf32, #tpu.memory_space<vmem>>
        %dma_start3A_383 = tpu.memref_squeeze %dma_start3A_382 : memref<1x1x128x64xf32, #tpu.memory_space<vmem>> -> memref<128x64xf32, #tpu.memory_space<vmem>>
        %dma_start3A_384 = arith.constant 0 : i32
        %dma_start3A_385 = tpu.memref_slice %arg6[%add3A_377, %dma_start3A_384] : memref<100x128xi32, #tpu.memory_space<vmem>> -> memref<1x128xi32, #tpu.memory_space<vmem>>
        %dma_start3A_386 = tpu.memref_squeeze %dma_start3A_385 : memref<1x128xi32, #tpu.memory_space<vmem>> -> memref<128xi32, #tpu.memory_space<vmem>>
        %dma_start3A_387 = arith.constant 0 : i32
        %dma_start3A_388 = arith.constant 0 : i32
        %dma_start3A_389 = tpu.memref_slice %arg4[%dma_start3A_387, %dma_start3A_388] : memref<1000000x64xf32, #tpu.memory_space<hbm>> -> memref<1000000x64xf32, #tpu.memory_space<hbm>>
        tpu.enqueue_indirect_dma source(%dma_start3A_389 : memref<1000000x64xf32, #tpu.memory_space<hbm>>) target(%dma_start3A_383 : memref<128x64xf32, #tpu.memory_space<vmem>>) offsets(%dma_start3A_386 : memref<128xi32, #tpu.memory_space<vmem>>) semaphore(%arg9 : memref<!tpu.dma_semaphore, #tpu.memory_space<semaphore_mem>>)
        %dma_start3A_390 = arith.constant 0 : i32
        %dma_start3A_391 = arith.constant 1 : i32
        %dma_start3A_392 = arith.constant 0 : i32
        %dma_start3A_393 = arith.constant 0 : i32
        %dma_start3A_394 = tpu.memref_slice %arg8[%dma_start3A_390, %dma_start3A_391, %dma_start3A_392, %dma_start3A_393] : memref<2x2x256x64xf32, #tpu.memory_space<vmem>> -> memref<1x1x128x64xf32, #tpu.memory_space<vmem>>
        %dma_start3A_395 = tpu.memref_squeeze %dma_start3A_394 : memref<1x1x128x64xf32, #tpu.memory_space<vmem>> -> memref<128x64xf32, #tpu.memory_space<vmem>>
        %dma_start3A_396 = arith.constant 0 : i32
        %dma_start3A_397 = tpu.memref_slice %arg7[%add3A_377, %dma_start3A_396] : memref<100x128xi32, #tpu.memory_space<vmem>> -> memref<1x128xi32, #tpu.memory_space<vmem>>
        %dma_start3A_398 = tpu.memref_squeeze %dma_start3A_397 : memref<1x128xi32, #tpu.memory_space<vmem>> -> memref<128xi32, #tpu.memory_space<vmem>>
        %dma_start3A_399 = arith.constant 0 : i32
        %dma_start3A_400 = arith.constant 0 : i32
        %dma_start3A_401 = tpu.memref_slice %arg4[%dma_start3A_399, %dma_start3A_400] : memref<1000000x64xf32, #tpu.memory_space<hbm>> -> memref<1000000x64xf32, #tpu.memory_space<hbm>>
        tpu.enqueue_indirect_dma source(%dma_start3A_401 : memref<1000000x64xf32, #tpu.memory_space<hbm>>) target(%dma_start3A_395 : memref<128x64xf32, #tpu.memory_space<vmem>>) offsets(%dma_start3A_398 : memref<128xi32, #tpu.memory_space<vmem>>) semaphore(%arg9 : memref<!tpu.dma_semaphore, #tpu.memory_space<semaphore_mem>>)
        %mul3A_402 = arith.constant 2 : i32
        %mul3A_403 = arith.muli %add3A_373, %mul3A_402 : i32
        %add3A_404 = arith.constant 1 : i32
        %add3A_405 = arith.addi %mul3A_403, %add3A_404 : i32
        %dma_start3A_406 = arith.constant 0 : i32
        %dma_start3A_407 = arith.constant 0 : i32
        %dma_start3A_408 = arith.constant 128 : i32
        %dma_start3A_409 = arith.constant 0 : i32
        %dma_start3A_410 = tpu.memref_slice %arg8[%dma_start3A_406, %dma_start3A_407, %dma_start3A_408, %dma_start3A_409] : memref<2x2x256x64xf32, #tpu.memory_space<vmem>> -> memref<1x1x128x64xf32, #tpu.memory_space<vmem>>
        %dma_start3A_411 = tpu.memref_squeeze %dma_start3A_410 : memref<1x1x128x64xf32, #tpu.memory_space<vmem>> -> memref<128x64xf32, #tpu.memory_space<vmem>>
        %dma_start3A_412 = arith.constant 0 : i32
        %dma_start3A_413 = tpu.memref_slice %arg6[%add3A_405, %dma_start3A_412] : memref<100x128xi32, #tpu.memory_space<vmem>> -> memref<1x128xi32, #tpu.memory_space<vmem>>
        %dma_start3A_414 = tpu.memref_squeeze %dma_start3A_413 : memref<1x128xi32, #tpu.memory_space<vmem>> -> memref<128xi32, #tpu.memory_space<vmem>>
        %dma_start3A_415 = arith.constant 0 : i32
        %dma_start3A_416 = arith.constant 0 : i32
        %dma_start3A_417 = tpu.memref_slice %arg4[%dma_start3A_415, %dma_start3A_416] : memref<1000000x64xf32, #tpu.memory_space<hbm>> -> memref<1000000x64xf32, #tpu.memory_space<hbm>>
        tpu.enqueue_indirect_dma source(%dma_start3A_417 : memref<1000000x64xf32, #tpu.memory_space<hbm>>) target(%dma_start3A_411 : memref<128x64xf32, #tpu.memory_space<vmem>>) offsets(%dma_start3A_414 : memref<128xi32, #tpu.memory_space<vmem>>) semaphore(%arg9 : memref<!tpu.dma_semaphore, #tpu.memory_space<semaphore_mem>>)
        %dma_start3A_418 = arith.constant 0 : i32
        %dma_start3A_419 = arith.constant 1 : i32
        %dma_start3A_420 = arith.constant 128 : i32
        %dma_start3A_421 = arith.constant 0 : i32
        %dma_start3A_422 = tpu.memref_slice %arg8[%dma_start3A_418, %dma_start3A_419, %dma_start3A_420, %dma_start3A_421] : memref<2x2x256x64xf32, #tpu.memory_space<vmem>> -> memref<1x1x128x64xf32, #tpu.memory_space<vmem>>
        %dma_start3A_423 = tpu.memref_squeeze %dma_start3A_422 : memref<1x1x128x64xf32, #tpu.memory_space<vmem>> -> memref<128x64xf32, #tpu.memory_space<vmem>>
        %dma_start3A_424 = arith.constant 0 : i32
        %dma_start3A_425 = tpu.memref_slice %arg7[%add3A_405, %dma_start3A_424] : memref<100x128xi32, #tpu.memory_space<vmem>> -> memref<1x128xi32, #tpu.memory_space<vmem>>
        %dma_start3A_426 = tpu.memref_squeeze %dma_start3A_425 : memref<1x128xi32, #tpu.memory_space<vmem>> -> memref<128xi32, #tpu.memory_space<vmem>>
        %dma_start3A_427 = arith.constant 0 : i32
        %dma_start3A_428 = arith.constant 0 : i32
        %dma_start3A_429 = tpu.memref_slice %arg4[%dma_start3A_427, %dma_start3A_428] : memref<1000000x64xf32, #tpu.memory_space<hbm>> -> memref<1000000x64xf32, #tpu.memory_space<hbm>>
        tpu.enqueue_indirect_dma source(%dma_start3A_429 : memref<1000000x64xf32, #tpu.memory_space<hbm>>) target(%dma_start3A_423 : memref<128x64xf32, #tpu.memory_space<vmem>>) offsets(%dma_start3A_426 : memref<128xi32, #tpu.memory_space<vmem>>) semaphore(%arg9 : memref<!tpu.dma_semaphore, #tpu.memory_space<semaphore_mem>>)
      } else {
      }
    }
    %scan3A_61 = arith.constant 25 : i32
    %add3A_62 = arith.constant 0 : i32
    %add3A_63 = arith.addi %mul3A_2, %add3A_62 : i32
    %dma_wait3A = arith.constant 1 : i32
    %dma_wait3A_64 = arith.constant 0 : i32
    %dma_wait3A_65 = arith.constant 0 : i32
    %dma_wait3A_66 = arith.constant 0 : i32
    %dma_wait3A_67 = tpu.memref_slice %arg8[%dma_wait3A, %dma_wait3A_64, %dma_wait3A_65, %dma_wait3A_66] : memref<2x2x256x64xf32, #tpu.memory_space<vmem>> -> memref<1x1x256x64xf32, #tpu.memory_space<vmem>>
    %dma_wait3A_68 = tpu.memref_squeeze %dma_wait3A_67 : memref<1x1x256x64xf32, #tpu.memory_space<vmem>> -> memref<256x64xf32, #tpu.memory_space<vmem>>
    %dma_wait3A_69 = arith.constant 0 : i32
    %dma_wait3A_70 = tpu.memref_slice %arg5[%add3A_63, %dma_wait3A_69] : memref<409600x128xf32, #tpu.memory_space<hbm>> -> memref<256x64xf32, #tpu.memory_space<hbm>>
    %dma_wait3A_71 = arith.constant 0 : i32
    %dma_wait3A_72 = tpu.memref_slice %arg5[%add3A_63, %dma_wait3A_71] : memref<409600x128xf32, #tpu.memory_space<hbm>> -> memref<256x64xf32, #tpu.memory_space<hbm>>
    %dma_wait3A_73 = arith.constant 0 : i32
    %dma_wait3A_74 = arith.constant 0 : i32
    %dma_wait3A_75 = tpu.memref_slice %arg8[%dma_wait3A, %dma_wait3A_64, %dma_wait3A_73, %dma_wait3A_74] : memref<2x2x256x64xf32, #tpu.memory_space<vmem>> -> memref<1x1x256x64xf32, #tpu.memory_space<vmem>>
    %dma_wait3A_76 = tpu.memref_squeeze %dma_wait3A_75 : memref<1x1x256x64xf32, #tpu.memory_space<vmem>> -> memref<256x64xf32, #tpu.memory_space<vmem>>
    tpu.wait_dma2 semaphore(%arg12 : memref<!tpu.dma_semaphore, #tpu.memory_space<semaphore_mem>>) src(%dma_wait3A_76 : memref<256x64xf32, #tpu.memory_space<vmem>>) dst(%dma_wait3A_72 : memref<256x64xf32, #tpu.memory_space<hbm>>)
    %add3A_77 = arith.constant 0 : i32
    %add3A_78 = arith.addi %mul3A_2, %add3A_77 : i32
    %dma_wait3A_79 = arith.constant 1 : i32
    %dma_wait3A_80 = arith.constant 1 : i32
    %dma_wait3A_81 = arith.constant 0 : i32
    %dma_wait3A_82 = arith.constant 0 : i32
    %dma_wait3A_83 = tpu.memref_slice %arg8[%dma_wait3A_79, %dma_wait3A_80, %dma_wait3A_81, %dma_wait3A_82] : memref<2x2x256x64xf32, #tpu.memory_space<vmem>> -> memref<1x1x256x64xf32, #tpu.memory_space<vmem>>
    %dma_wait3A_84 = tpu.memref_squeeze %dma_wait3A_83 : memref<1x1x256x64xf32, #tpu.memory_space<vmem>> -> memref<256x64xf32, #tpu.memory_space<vmem>>
    %dma_wait3A_85 = arith.constant 64 : i32
    %dma_wait3A_86 = tpu.memref_slice %arg5[%add3A_78, %dma_wait3A_85] : memref<409600x128xf32, #tpu.memory_space<hbm>> -> memref<256x64xf32, #tpu.memory_space<hbm>>
    %dma_wait3A_87 = arith.constant 64 : i32
    %dma_wait3A_88 = tpu.memref_slice %arg5[%add3A_78, %dma_wait3A_87] : memref<409600x128xf32, #tpu.memory_space<hbm>> -> memref<256x64xf32, #tpu.memory_space<hbm>>
    %dma_wait3A_89 = arith.constant 0 : i32
    %dma_wait3A_90 = arith.constant 0 : i32
    %dma_wait3A_91 = tpu.memref_slice %arg8[%dma_wait3A_79, %dma_wait3A_80, %dma_wait3A_89, %dma_wait3A_90] : memref<2x2x256x64xf32, #tpu.memory_space<vmem>> -> memref<1x1x256x64xf32, #tpu.memory_space<vmem>>
    %dma_wait3A_92 = tpu.memref_squeeze %dma_wait3A_91 : memref<1x1x256x64xf32, #tpu.memory_space<vmem>> -> memref<256x64xf32, #tpu.memory_space<vmem>>
    tpu.wait_dma2 semaphore(%arg12 : memref<!tpu.dma_semaphore, #tpu.memory_space<semaphore_mem>>) src(%dma_wait3A_92 : memref<256x64xf32, #tpu.memory_space<vmem>>) dst(%dma_wait3A_88 : memref<256x64xf32, #tpu.memory_space<hbm>>)
    return
  }
}

</mosaic_0001>

<sc_bundles>
// kernel: _sc_gather.3.cloned.1.call-start
scs
__scs_entry_jumppad:
0x0: {  	(pc) =	sbr.rel $0x88, $3  }
0x1: {  	(tag) =	ssettag $0x0;
	lr =	simm.s32 $0x1  }
0x2: {  	[smem:$0x3F9E] =	sst lr;
	_ =	strace $0xD0000000  }
0x3: {  	_ = 	snop  }
0x4: {  	_ = 	snop  }
0x5: {  	_ = 	snop  }
0x6: {  	_ = 	snop  }
0x7: {  	_ = 	snop  }
__scs_overlays_trampoline_lowered:
0x8: {  	[smem:$0x3FAD] =	sst s0  }
0x9: {  	[smem:$0x3FAE] =	sst s1  }
0xa: {  	[smem:$0x3FAF] =	sst s2  }
0xb: {  	[smem:$0x3FB0] =	sst s3  }
0xc: {  	[smem:$0x3FB1] =	sst s4  }
0xd: {  	[smem:$0x3FB2] =	sst s5  }
0xe: {  	[smem:$0x3FB3] =	sst s6  }
0xf: {  	[smem:$0x3FB4] =	sst s7  }
0x10: {  	[smem:$0x3FB5] =	sst s8  }
0x11: {  	[smem:$0x3FB6] =	sst s9;
	s0 =	simm.s32 @!p0 $0x0  }
0x12: {  	s1 =	sld [smem:$0x3F9C];
	s0 =	simm.s32 @p0 $0x1  }
0x13: {  	[smem:$0x3FB7] =	sst s0;
	s0 =	simm.s32 @!p1 $0x0  }
0x14: {  	s2 =	sld [smem:$0x3F9B];
	s0 =	simm.s32 @p1 $0x1  }
0x15: {  	[smem:$0x3FB8] =	sst s0;
	s0 =	simm.s32 @!p2 $0x0  }
0x16: {  	s3 =	sld [smem:$0x3FDB];
	s0 =	simm.s32 @p2 $0x1  }
0x17: {  	s4 =	simm.s32 $0x1BF5;
	[smem:$0x3FBA] =	sst s0  }
0x18: {  	s0 =	sld [smem:$0x3F9D];
	_ =	swait.ge [sflag:s4], $0x0  }
0x19: {  	s7 =	sld [smem:$0x3F9E]  }
0x1a: {  	s8 =	sadd.s32 $0xFFFFE003, lr  }
0x1b: {  	s9 =	sadd.s32 $0xFFFFFEF7, lr;
	s5 =	simm.s32 $0xFFFFFFFF;
	p2 =	slt.u32 s8, $0xFFFFF086  }
0x1c: {  	p1 =	slt.u32 s9, $0xF7A;
	s5 =	simm.s32 @!p2 $0x0  }
0x1d: {  	s5 =	simm.s32 @p1 $0x1;
	p0 =	seq.s32 s7, s2  }
0x1e: {  	s7 =	smul.u32 @!p0 $0xF7A, s2;
	p2 =	seq.s32 @!p0 s5, $0x0  }
0x1f: {  	s9 =	smul.u32 $0xF7A, s1;
	s8 =	simm.s32 @!p0 $0x1BF5;
	p2 =	por !p2, p0  }
0x20: {  	[sflag:s8] =	ssyncset.s32 @!p0 $0xFFFFF086;
	s6 =	sadd.s32 @!p0 s3, s7;
	s7 =	simm.s32 @!p0 $0x108  }
0x21: {  	s3 =	sadd.s32 s3, s9;
	s6 =	sadd.s32 @!p0 $0x88, s6;
	s7 =	simm.s32 @p2 $0x1082  }
0x22: {  	[simem:s7], [sflag:s8] =	dma.local @!p0 [hbm:s6], $0xF7A  }
0x23: {  	s9 =	sor.u32 $0xD0000000, s2;
	s6 =	simm.s32 $0x108;
	_ =	swait.ge @!p0 [sflag:s8], $0x0  }
0x24: {  	s3 =	sadd.s32 $0x88, s3;
	s6 =	simm.s32 @!p1 $0x1082;
	[sflag:s4] =	ssyncset.s32 $0xFFFFF086  }
0x25: {  	[simem:s6], [sflag:s4] =	dma.local [hbm:s3], $0xF7A  }
0x26: {  	[smem:$0x3F9E] =	sst s1;
	(tag) =	ssettag s2;
	_ =	strace s9  }
0x27: {  	s1 =	sld [smem:$0x3FAE]  }
0x28: {  	s2 =	sld [smem:$0x3FAF]  }
0x29: {  	s4 =	sld [smem:$0x3FB1]  }
0x2a: {  	p0 =	seq.s32 s5, $0x0;
	s5 =	sld [smem:$0x3FB2]  }
0x2b: {  	s6 =	sld [smem:$0x3FB3]  }
0x2c: {  	s7 =	sld [smem:$0x3FB4]  }
0x2d: {  	s3 =	simm.s32 $0x108;
	s8 =	sld [smem:$0x3FB5]  }
0x2e: {  	s3 =	simm.s32 @!p0 $0x1082;
	s9 =	sld [smem:$0x3FB6]  }
0x2f: {  	lr =	sadd.s32 s0, s3;
	s0 =	sld [smem:$0x3FAD]  }
0x30: {  	s3 =	sld [smem:$0x3FB0]  }
0x31: {  	[smem:$0x3FB9] =	sst s10  }
0x32: {  	s10 =	sld [smem:$0x3FB7];
	_ =	sdelay $0x3  }
0x33: {  	p0 =	seq.s32 s10, $0x1;
	s10 =	sld [smem:$0x3FB9];
	_ =	sdelay $0x3  }
0x34: {  	[smem:$0x3FB9] =	sst s10  }
0x35: {  	s10 =	sld [smem:$0x3FB8];
	_ =	sdelay $0x3  }
0x36: {  	p1 =	seq.s32 s10, $0x1;
	s10 =	sld [smem:$0x3FB9];
	_ =	sdelay $0x3  }
0x37: {  	[smem:$0x3FB9] =	sst s10  }
0x38: {  	s10 =	sld [smem:$0x3FBA]  }
0x39: {  	_ = 	snop;
	(pc) =	sbr.ind lr, $3  }
0x3a: {  	_ = 	snop  }
0x3b: {  	_ = 	snop  }
0x3c: {  	p2 =	seq.s32 s10, $0x1;
	s10 =	sld [smem:$0x3FB9]  }
0x3d: {  	_ =	shalt  }
0x3e: {  	_ =	shalt  }
0x3f: {  	_ =	shalt  }
0x40: {  	_ =	shalt  }
0x41: {  	_ =	shalt  }
0x42: {  	_ =	shalt  }
0x43: {  	_ =	shalt  }
0x44: {  	_ =	shalt  }
0x45: {  	_ =	shalt  }
0x46: {  	_ =	shalt  }
0x47: {  	_ =	shalt  }
0x48: {  	_ =	shalt  }
0x49: {  	_ =	shalt  }
0x4a: {  	_ =	shalt  }
0x4b: {  	_ =	shalt  }
0x4c: {  	_ =	shalt  }
0x4d: {  	_ =	shalt  }
0x4e: {  	_ =	shalt  }
0x4f: {  	_ =	shalt  }
0x50: {  	_ =	shalt  }
0x51: {  	_ =	shalt  }
0x52: {  	_ =	shalt  }
0x53: {  	_ =	shalt  }
0x54: {  	_ =	shalt  }
0x55: {  	_ =	shalt  }
0x56: {  	_ =	shalt  }
0x57: {  	_ =	shalt  }
0x58: {  	_ =	shalt  }
0x59: {  	_ =	shalt  }
0x5a: {  	_ =	shalt  }
0x5b: {  	_ =	shalt  }
0x5c: {  	_ =	shalt  }
0x5d: {  	_ =	shalt  }
0x5e: {  	_ =	shalt  }
0x5f: {  	_ =	shalt  }
0x60: {  	_ =	shalt  }
0x61: {  	_ =	shalt  }
0x62: {  	_ =	shalt  }
0x63: {  	_ =	shalt  }
0x64: {  	_ =	shalt  }
0x65: {  	_ =	shalt  }
0x66: {  	_ =	shalt  }
0x67: {  	_ =	shalt  }
0x68: {  	_ =	shalt  }
0x69: {  	_ =	shalt  }
0x6a: {  	_ =	shalt  }
0x6b: {  	_ =	shalt  }
0x6c: {  	_ =	shalt  }
0x6d: {  	_ =	shalt  }
0x6e: {  	_ =	shalt  }
0x6f: {  	_ =	shalt  }
0x70: {  	_ =	shalt  }
0x71: {  	_ =	shalt  }
0x72: {  	_ =	shalt  }
0x73: {  	_ =	shalt  }
0x74: {  	_ =	shalt  }
0x75: {  	_ =	shalt  }
0x76: {  	_ =	shalt  }
0x77: {  	_ =	shalt  }
0x78: {  	_ =	shalt  }
0x79: {  	_ =	shalt  }
0x7a: {  	_ =	shalt  }
0x7b: {  	_ =	shalt  }
0x7c: {  	_ =	shalt  }
0x7d: {  	_ =	shalt  }
0x7e: {  	_ =	shalt  }
0x7f: {  	_ =	shalt  }
0x80: {  	_ =	shalt  }
0x81: {  	_ =	shalt  }
0x82: {  	_ =	shalt  }
0x83: {  	_ =	shalt  }
0x84: {  	_ =	shalt  }
0x85: {  	_ =	shalt  }
0x86: {  	_ =	shalt  }
0x87: {  	_ =	shalt  }
.Lfunc_end0:
.L_simem_size_0:
called_computation_lowered:
.L_overlay_start_0:
0x88: {  	s2 =	sld [smem:$0x3FD9]  }
0x89: {  	s3 =	sld [smem:$0x3FFE];
	_ =	sdelay $0x1  }
0x8a: {  	s1 =	srdreg.scid  }
0x8b: {  	s0 =	sand.u32 $0x1, s1  }
0x8c: {  	s17 =	sshll.u32 s0, $0xA;
	s2 =	sadd.s32 s3, s2  }
0x8d: {  	s2 =	sadd.s32 s2, s17  }
0x8e: {  	[smem:$0x3FC5] =	sst s2  }
0x8f: {  	_ = 	snop  }
0x90: {  	s2 =	sld [smem:$0x3FC9]  }
0x91: {  	s18 =	sld [smem:$0x3FC8]  }
0x92: {  	s4 =	sld [smem:$0x3FD0];
	(tm) =	ssettm $0x1  }
0x93: {  	s5 =	sld [smem:$0x3FFB];
	_ =	sdelay $0x3  }
0x94: {  	_ =	strace s5  }
0x95: {  	s5 =	sld [smem:$0x3FFC];
	_ =	sdelay $0x3  }
0x96: {  	_ =	strace s5  }
0x97: {  	s5 =	sld [smem:$0x3FFD];
	_ =	sdelay $0x3  }
0x98: {  	_ =	strace s5  }
0x99: {  	_ =	strace $0x8FFFFFFF  }
0x9a: {  	s19 =	sld [smem:$0x3FDB];
	_ =	sdelay $0x1  }
0x9b: {  	s6 =	simm.s32 $_scs_section_size  }
0x9c: {  	s7 =	simm.s32 $_size__tile_overlayer_lowered;
	s8 =	simm.s32 $_tile_overlayer_lowered  }
0x9d: {  	s22 =	simm.s32 $0x1BFF;
	s21 =	sshll.u32 s8, $0x1;
	s5 =	sadd.s32 s6, s19  }
0x9e: {  	s9 =	simm.s32 $0x0;
	s20 =	sshll.u32 s7, $0x1;
	s7 =	sadd.s32 s21, s5  }
0x9f: {  	[timem:s9], [sflag:s22] =	dma.local [hbm:s7], s20  }
0xa0: {  	_ =	swait.ge [sflag:s22], s20  }
0xa1: {  	s6 =	ssub.s32 $0x0, s20;
	[sflag:s22] =	ssyncset.done $0x0  }
0xa2: {  	[sflag:s22] =	ssyncadd.s32 s6;
	_ =	sdelay $0x1  }
0xa3: {  	s23 =	simm.s32 $0x1B8B  }
0xa4: {  	_ =	swait.ge [sflag:s23], $0x1  }
0xa5: {  	[sflag:s23] =	ssyncset.done $0x0  }
0xa6: {  	s25 =	simm.s32 $0x1B8E;
	s24 =	sld [smem:$0x3FFE];
	[sflag:s23] =	ssyncadd.s32 $0xFFFFFFFF  }
0xa7: {  	s26 =	simm.s32 $execute0_lowered;
	[smem:$0x3FD2] =	sst s25  }
0xa8: {  	s7 =	sshll.u32 s26, $0x1;
	_ =	strace $0x80000046;
	[dreg:$0x1] =	wrdreg $0xFFFFFFFF  }
0xa9: {  	s28 =	simm.s32 $_size_execute0_lowered;
	s5 =	sadd.s32 s5, s7;
	[dreg:$0x0] =	wrdreg $0x0  }
0xaa: {  	s7 =	sshll.u32 s28, $0x1;
	[dreg:$0x2] =	wrdreg s5  }
0xab: {  	[dreg:$0x3] =	wrdreg s7  }
0xac: {  	[dreg:$0x4] =	wrdreg $0xC0  }
0xad: {  	_ =	task [dreg:s9], $0x5FFFF  }
0xae: {  	[dreg:$0x1] =	wrdreg $0xFFFFFFFF  }
0xaf: {  	[dreg:$0x0] =	wrdreg $0x60  }
0xb0: {  	[dreg:$0x2] =	wrdreg s2  }
0xb1: {  	[dreg:$0x3] =	wrdreg s18  }
0xb2: {  	[dreg:$0x4] =	wrdreg s24  }
0xb3: {  	[dreg:$0x5] =	wrdreg s4  }
0xb4: {  	[dreg:$0x6] =	wrdreg $0x9  }
0xb5: {  	_ =	task.clear_ibuf [dreg:s9], $0x7FFFF;
	_ =	strace $0x90000046  }
0xb6: {  	s29 =	simm.s32 $0x9;
	_ =	strace $0x80000048  }
0xb7: {  	_ =	swait.ge [sflag:s29], $0x1  }
0xb8: {  	[sflag:s29] =	ssyncadd.s32 $0xFFFFFFFF  }
0xb9: {  	_ =	strace $0x90000048  }
0xba: {  	_ =	sfence  }
0xbb: {  	s30 =	sld [smem:$0x0];
	_ =	sdelay $0x2  }
0xbc: {  	s31 =	sshll.u32 s1, $0xD;
	s1 =	sshrl.u32 s1, $0x2  }
0xbd: {  	s3 =	sand.u32 $0x4000, s31;
	s1 =	sadd.s32 s1, s30  }
0xbe: {  	s0 =	sor.u32 s3, s0;
	s1 =	sshll.u32 s1, $0x11  }
0xbf: {  	s0 =	sor.u32 s1, s0  }
0xc0: {  	s0 =	sadd.s32 $0x8F2B, s0  }
0xc1: {  	[sflag:s0] =	ssyncadd.remote.s32 $0x1  }
0xc2: {  	_ =	sfence.sel $0xFFFF  }
0xc3: {  	[dreg:$0x0] =	wrdreg $0xFFFFFFFF;
	(pc) =	sbr.abs _section_cstart, $3  }
0xc4: {  	[dreg:$0x1] =	wrdreg $0xFFFFFFFF  }
0xc5: {  	_ =	task.clear_ibuf [dreg:s9], $0x2FFFF;
	_ =	strace $0x9FFFFFFF  }
0xc6: {  	(tm) =	ssettm $0x7FFFFFFF  }
0xc7: {  	_ =	shalt  }
tec
execute0_lowered:
.L_overlay_start_1:
0x0: {  	(tag) =	ssettag $0x1  }
0x1: {  	s4 =	rddreg [dreg:$0x0]  }
0x2: {  	s5 =	rddreg [dreg:$0x1]  }
0x3: {  	s3 =	rddreg [dreg:$0x2]  }
0x4: {  	s6 =	rddreg [dreg:$0x3]  }
0x5: {  	s7 =	srdreg.scid;
	s1 =	stileid.u32;
	s2 =	simm.s32 $0x0  }
0x6: {  	s12 =	simm.s32 $0x6400;
	s13 =	simm.s32 $0xA400;
	s14 =	simm.s32 $0x8400  }
0x7: {  	s15 =	simm.s32 $0x3280;
	s16 =	simm.s32 $0xC400;
	s17 =	simm.s32 $0x1  }
0x8: {  	s18 =	simm.s32 $0x40;
	s19 =	simm.s32 $0xE400;
	s20 =	simm.s32 $0x12400  }
0x9: {  	s21 =	simm.s32 $0x10400;
	s22 =	simm.s32 $0x14400;
	s23 =	simm.s32 $0x2  }
0xa: {  	s24 =	simm.s32 $0x3;
	s25 =	simm.s32 $0x4;
	s26 =	simm.s32 $0x0  }
0xb: {  	s7 =	sand.u32 $0x1, s7;
	s8 =	smul.u32 $0x320000, s1;
	[smem:$0x7FF] =	sst s2  }
0xc: {  	s9 =	sshll.u32 s1, $0x1;
	s3 =	sadd.s32 $0xF42800, s3;
	s10 =	smul.u32 $0x190000, s7  }
0xd: {  	_ =	strace $0x80000047;
	s11 =	ssub.s32 $0x2, s7;
	s7 =	sor.u32 s7, s9  }
0xe: {  	s29 =	sshrl.u32 s11, $0x1;
	s7 =	smul.u32 $0x640, s7;
	s8 =	sadd.s32 s10, s8  }
.Ltmp0:
0xf: {  	s9 =	ssub.s32 s11, s29;
	s11 =	simm.s32 $0x80;
	(pc) =	sbr.rel .LBB2_1-.Ltmp0, $4  }
0x10: {  	s10 =	sor.u32 $0x8000, s8;
	s4 =	sadd.s32 s4, s7;
	s8 =	sshrl.u32 s8, $0x3  }
0x11: {  	s5 =	sadd.s32 s5, s7;
	s10 =	sshrl.u32 s10, $0x3;
	s30 =	sadd.s32 s8, s6  }
0x12: {  	s31 =	sadd.s32 s10, s6;
	s6 =	smax.u32 s9, $0x1;
	s7 =	sadd.s32 $0x8, s30  }
0x13: {  	s9 =	simm.s32 $0x5;
	s10 =	simm.s32 $0x3200;
	s8 =	sadd.s32 $0x8, s31  }
.LBB2_4:
0x14: {  	s26 =	sadd.s32 $0x1, s26  }
0x15: {  	_ =	swait.ge [sflag:s25], $0x4000;
	p0 =	sne.s32 s26, s6  }
.Ltmp1:
0x16: {  	[sflag:s25] =	ssyncset.done $0x0;
	(pc) =	sbr.rel @!p0 .LBB2_5-.Ltmp1, $4  }
0x17: {  	[sflag:s25] =	ssyncadd.s32 $0xFFFFC000  }
0x18: {  	_ =	swait.ge [sflag:s25], $0x4000  }
0x19: {  	[sflag:s25] =	ssyncset.done $0x0  }
0x1a: {  	[sflag:s25] =	ssyncadd.s32 $0xFFFFC000  }
.LBB2_1:
0x1b: {  	[tilespmem:s2], [sflag:$0x5] =	stream.linear.gather [hbm4b:s4+s2], $0x3200, $0x38;
	[tilespmem:$0x16400] =	vst v63  }
0x1c: {  	_ =	swait.ge [sflag:s9], $0x3200  }
0x1d: {  	[sflag:s9] =	ssyncset.done $0x0  }
0x1e: {  	[sflag:s9] =	ssyncadd.s32 $0xFFFFCE00  }
0x1f: {  	[tilespmem:s10], [sflag:$0x5] =	stream.linear.gather [hbm4b:s5+s2], $0x3200, $0x38;
	[tilespmem:$0x16400] =	vst v63  }
0x20: {  	_ =	swait.ge [sflag:s9], $0x3200  }
0x21: {  	[sflag:s9] =	ssyncset.done $0x0  }
0x22: {  	[sflag:s9] =	ssyncadd.s32 $0xFFFFCE00  }
0x23: {  	[tilespmem:s12], [sflag:$0x1] =	stream.indirect.gather [hbm4b:s3+s11], $0x40, s2, s11, $0xb8;
	[tilespmem:$0x16400] =	vst v63  }
0x24: {  	_ = 	snop  }
0x25: {  	[tilespmem:s13], [sflag:$0x1] =	stream.indirect.gather [hbm4b:s3+s11], $0x40, s10, s11, $0xb8;
	[tilespmem:$0x16400] =	vst v63  }
0x26: {  	_ = 	snop  }
0x27: {  	[tilespmem:s14], [sflag:$0x1] =	stream.indirect.gather [hbm4b:s3+s11], $0x40, s11, s11, $0xb8;
	[tilespmem:$0x16400] =	vst v63  }
0x28: {  	s28 =	smov.u32 s8;
	s29 =	smov.u32 s7;
	s30 =	simm.s32 $0x0  }
0x29: {  	[tilespmem:s16], [sflag:$0x1] =	stream.indirect.gather [hbm4b:s3+s11], $0x40, s15, s11, $0xb8;
	[tilespmem:$0x16400] =	vst v63  }
.LBB2_2:
0x2a: {  	_ =	swait.ge [sflag:s17], $0x2000  }
0x2b: {  	[sflag:s17] =	ssyncset.done $0x0  }
0x2c: {  	[sflag:s17] =	ssyncadd.s32 $0xFFFFE000  }
0x2d: {  	_ =	swait.ge [sflag:s17], $0x2000  }
0x2e: {  	[sflag:s17] =	ssyncset.done $0x0  }
0x2f: {  	[sflag:s17] =	ssyncadd.s32 $0xFFFFE000  }
0x30: {  	_ =	swait.ge [sflag:s17], $0x2000  }
0x31: {  	[sflag:s17] =	ssyncset.done $0x0  }
0x32: {  	[sflag:s17] =	ssyncadd.s32 $0xFFFFE000  }
0x33: {  	_ =	swait.ge [sflag:s17], $0x2000  }
0x34: {  	[sflag:s17] =	ssyncset.done $0x0  }
0x35: {  	s31 =	sadd.s32 $0xFFFFFFF8, s29;
	p0 =	seq.s32 s30, $0x0;
	[sflag:s17] =	ssyncadd.s32 $0xFFFFE000  }
0x36: {  	[hbm4b:s31+s18] =	stream.strided.scatter [tilespmem:s12], [sflag:$0x3], $0x4000, s11, s18, $0x38;
	[tilespmem:$0x16400] =	vst v63  }
0x37: {  	s0 =	simm.s32 @!p0 $0x4  }
0x38: {  	[hbm4b:s29+s18] =	stream.strided.scatter [tilespmem:s13], [sflag:$0x3], $0x4000, s11, s18, $0x38;
	[tilespmem:$0x16400] =	vst v63  }
0x39: {  	_ =	swait.ge @!p0 [sflag:s0], $0x4000  }
0x3a: {  	[sflag:s0] =	ssyncset.done @!p0 $0x0  }
0x3b: {  	[sflag:s0] =	ssyncadd.s32 @!p0 $0xFFFFC000  }
0x3c: {  	_ =	swait.ge @!p0 [sflag:s0], $0x4000  }
0x3d: {  	s31 =	sshra.s32 s30, $0x2;
	[sflag:s0] =	ssyncset.done @!p0 $0x0  }
0x3e: {  	[sflag:s0] =	ssyncadd.s32 @!p0 $0xFFFFC000;
	s0 =	sadd.s32 $0x100, s31  }
0x3f: {  	[tilespmem:s19], [sflag:$0x2] =	stream.indirect.gather [hbm4b:s3+s11], $0x40, s0, s11, $0xb8;
	[tilespmem:$0x16400] =	vst v63  }
0x40: {  	s0 =	sadd.s32 $0x3300, s31  }
0x41: {  	[tilespmem:s20], [sflag:$0x2] =	stream.indirect.gather [hbm4b:s3+s11], $0x40, s0, s11, $0xb8;
	[tilespmem:$0x16400] =	vst v63  }
0x42: {  	s0 =	sadd.s32 $0x180, s31  }
0x43: {  	[tilespmem:s21], [sflag:$0x2] =	stream.indirect.gather [hbm4b:s3+s11], $0x40, s0, s11, $0xb8;
	[tilespmem:$0x16400] =	vst v63  }
0x44: {  	s0 =	sadd.s32 $0x3380, s31  }
0x45: {  	[tilespmem:s22], [sflag:$0x2] =	stream.indirect.gather [hbm4b:s3+s11], $0x40, s0, s11, $0xb8;
	[tilespmem:$0x16400] =	vst v63  }
0x46: {  	_ =	swait.ge [sflag:s23], $0x2000  }
0x47: {  	[sflag:s23] =	ssyncset.done $0x0  }
0x48: {  	[sflag:s23] =	ssyncadd.s32 $0xFFFFE000  }
0x49: {  	_ =	swait.ge [sflag:s23], $0x2000  }
0x4a: {  	[sflag:s23] =	ssyncset.done $0x0  }
0x4b: {  	[sflag:s23] =	ssyncadd.s32 $0xFFFFE000  }
0x4c: {  	_ =	swait.ge [sflag:s23], $0x2000  }
0x4d: {  	[sflag:s23] =	ssyncset.done $0x0  }
0x4e: {  	[sflag:s23] =	ssyncadd.s32 $0xFFFFE000  }
0x4f: {  	_ =	swait.ge [sflag:s23], $0x2000  }
0x50: {  	[sflag:s23] =	ssyncset.done $0x0  }
0x51: {  	s0 =	sadd.s32 $0xFFFFFFF8, s28;
	[sflag:s23] =	ssyncadd.s32 $0xFFFFE000  }
0x52: {  	[hbm4b:s0+s18] =	stream.strided.scatter [tilespmem:s19], [sflag:$0x4], $0x4000, s11, s18, $0x38;
	[tilespmem:$0x16400] =	vst v63  }
0x53: {  	_ = 	snop  }
0x54: {  	[hbm4b:s28+s18] =	stream.strided.scatter [tilespmem:s20], [sflag:$0x4], $0x4000, s11, s18, $0x38;
	[tilespmem:$0x16400] =	vst v63  }
0x55: {  	p0 =	seq.s32 s30, $0xC000;
	_ =	swait.ge [sflag:s24], $0x4000  }
.Ltmp2:
0x56: {  	[sflag:s24] =	ssyncset.done $0x0;
	(pc) =	sbr.rel @p0 .LBB2_4-.Ltmp2, $4  }
0x57: {  	[sflag:s24] =	ssyncadd.s32 $0xFFFFC000  }
0x58: {  	_ =	swait.ge [sflag:s24], $0x4000  }
0x59: {  	[sflag:s24] =	ssyncset.done $0x0  }
0x5a: {  	[sflag:s24] =	ssyncadd.s32 $0xFFFFC000  }
0x5b: {  	s0 =	sadd.s32 $0x200, s31  }
0x5c: {  	[tilespmem:s12], [sflag:$0x1] =	stream.indirect.gather [hbm4b:s3+s11], $0x40, s0, s11, $0xb8;
	[tilespmem:$0x16400] =	vst v63  }
0x5d: {  	s0 =	sadd.s32 $0x3400, s31  }
0x5e: {  	[tilespmem:s13], [sflag:$0x1] =	stream.indirect.gather [hbm4b:s3+s11], $0x40, s0, s11, $0xb8;
	[tilespmem:$0x16400] =	vst v63  }
.Ltmp3:
0x5f: {  	_ = 	snop;
	(pc) =	sbr.rel .LBB2_2-.Ltmp3, $4  }
0x60: {  	s30 =	sadd.s32 $0x800, s30;
	s0 =	sadd.s32 $0x280, s31  }
0x61: {  	[tilespmem:s14], [sflag:$0x1] =	stream.indirect.gather [hbm4b:s3+s11], $0x40, s0, s11, $0xb8;
	[tilespmem:$0x16400] =	vst v63  }
0x62: {  	s29 =	sadd.s32 $0x2000, s29;
	s28 =	sadd.s32 $0x2000, s28;
	s31 =	sadd.s32 $0x3480, s31  }
0x63: {  	[tilespmem:s16], [sflag:$0x1] =	stream.indirect.gather [hbm4b:s3+s11], $0x40, s31, s11, $0xb8;
	[tilespmem:$0x16400] =	vst v63  }
.LBB2_5:
0x64: {  	_ =	sfence.sel $0x180000  }
0x65: {  	[bflag:$0x0] =	sbarrier.arrive $0xFFFF  }
0x66: {  	_ =	strace $0x90000047  }
0x67: {  	[bflag:$0x2] =	sbarrier.arrive $0xFFFF  }
0x68: {  	p0 =	sne.s32 s1, $0x0;
	s0 =	rddreg [dreg:$0x4]  }
0x69: {  	s0 =	sadd.s32 @!p0 $0x100000, s0  }
0x6a: {  	[sflag:s0] =	ssyncadd.tile.s32 @!p0 $0x1;
	_ =	shalt  }
.Lfunc_end2:
_tile_overlayer_lowered:
.L_overlay_start_2:
0x6b: {  	(tag) =	ssettag $0x2  }
0x6c: {  	s0 =	rddreg [dreg:$0x0];
	s2 =	stileid.u32  }
0x6d: {  	s1 =	rddreg [dreg:$0x1];
	p0 =	sne.s32 s2, $0x0  }
0x6e: {  	s3 =	rddreg [dreg:$0x2];
	[bflag:$0x3] =	sbarrier.arrive $0xFFFF;
	s2 =	simm.s32 @!p0 $0x1C05  }
0x6f: {  	[timem:s3], [sflag:s2] =	dma.local @!p0 [hbm:s0], s1  }
0x70: {  	s0 =	simm.s32 @!p0 $0x5  }
0x71: {  	_ =	swait.ge @!p0 [sflag:s0], s1  }
0x72: {  	s1 =	ssub.s32 @!p0 $0x0, s1;
	[sflag:s0] =	ssyncset.done @!p0 $0x0  }
0x73: {  	[sflag:s0] =	ssyncadd.s32 @!p0 s1  }
0x74: {  	[bflag:$0x3] =	sbarrier.arrive $0xFFFF  }
0x75: {  	_ =	shalt  }

</sc_bundles>
